<compile_context>
chip_gen: v7x
topology: tpu7x:2x2x1
jax: 0.10.2.dev20260603
libtpu: 0.0.44.dev20260713+nightly
codegen_flags: <defaults>
</compile_context>

<pallas_src>
import jax
import jax.numpy as jnp
from jax import lax
from jax.experimental import pallas as pl
from jax.experimental.pallas import tpu as pltpu
from jax.experimental.pallas import tpu_sc as plsc

_B, _Q, _C = 64, 2048, 256
_NC, _NS, _L = 2, 16, 16
_NW = _NC * _NS
_QS = 896
_QT = _Q - _QS
_BPW = 2
_RPW = _BPW * _QS
_CHUNK = 128
_KQ = _QS // _CHUNK
_NCHUNK = _BPW * _KQ
_GROUPS = _CHUNK // _L
_BLK = 8
_MAIN_C = 240


def _sc_body(logits_hbm, labels_hbm, lbuf0, lbuf1, lab_st, sem0, sem1):
    cid = lax.axis_index("c")
    sid = lax.axis_index("s")
    wid = sid * _NC + cid
    b0 = wid * _BPW

    lane = lax.iota(jnp.int32, _L)
    neg_inf = jnp.full((_L,), -jnp.inf, jnp.float32)

    lbufs = (lbuf0, lbuf1)
    sems = (sem0, sem1)

    def start_chunk_dma(g, buf, sem):
        bb = b0 + g // _KQ
        q0 = (g % _KQ) * _CHUNK
        pltpu.async_copy(logits_hbm.at[bb, pl.ds(q0, _CHUNK), :], buf, sem)

    start_chunk_dma(jnp.int32(0), lbuf0, sem0)
    start_chunk_dma(jnp.int32(1), lbuf1, sem1)

    def chunk_step(g, b):
        buf = lbufs[b]
        sem = sems[b]
        pltpu.make_async_copy(
            logits_hbm.at[0, pl.ds(0, _CHUNK), :], buf, sem).wait()

        def grp_body(grp, _):
            row0 = g * _CHUNK + grp * _L
            rows = lane + grp * _L

            def blk_body(blk, carry):
                best, bblk = carry
                c = blk * _BLK
                vs = []
                col = lane + c
                for j in range(_BLK):
                    if j:
                        col = col + 1
                    vs.append(plsc.load_gather(buf, [rows, col]))
                m01 = jnp.maximum(vs[0], vs[1])
                m23 = jnp.maximum(vs[2], vs[3])
                m45 = jnp.maximum(vs[4], vs[5])
                m67 = jnp.maximum(vs[6], vs[7])
                m = jnp.maximum(jnp.maximum(m01, m23),
                                jnp.maximum(m45, m67))
                gt = m > best
                best = jnp.where(gt, m, best)
                bblk = jnp.where(gt, jnp.full((_L,), c, jnp.int32), bblk)
                return (best, bblk)

            best, bblk = lax.fori_loop(
                0, _MAIN_C // _BLK, blk_body,
                (neg_inf, jnp.zeros((_L,), jnp.int32)))

            col = bblk + lane
            v = plsc.load_gather(buf, [rows, col])
            bcol = col
            found = v == best
            for _ in range(_BLK - 1):
                col = col + 1
                v = plsc.load_gather(buf, [rows, col])
                hit = jnp.logical_and(v == best,
                                      jnp.logical_not(found))
                bcol = jnp.where(hit, col, bcol)
                found = jnp.logical_or(found, hit)

            def tail_body(_, carry):
                best, bcol, col = carry
                col = jnp.bitwise_and(col + 1, _C - 1)
                v = plsc.load_gather(buf, [rows, col])
                gt = v > best
                best = jnp.where(gt, v, best)
                bcol = jnp.where(gt, col, bcol)
                return (best, bcol, col)

            best, bcol, _ = lax.fori_loop(
                _MAIN_C, _C, tail_body,
                (best, bcol, lane + (_MAIN_C - 1)))

            lab_st[pl.ds(row0, _L)] = jnp.where(best > 0.0, bcol, -1)
            return 0

        lax.fori_loop(0, _GROUPS, grp_body, 0)

        @pl.when(g + 2 < _NCHUNK)
        def _():
            start_chunk_dma(g + 2, buf, sem)

    def pair_body(p, _):
        g = p * 2
        chunk_step(g, 0)
        chunk_step(g + 1, 1)
        return 0

    lax.fori_loop(0, _NCHUNK // 2, pair_body, 0)

    for i in range(_BPW):
        pltpu.sync_copy(lab_st.at[pl.ds(i * _QS, _QS)], labels_hbm.at[b0 + i])


_TB = 16


def _tc_body(x_ref, lab_ref):
    x = x_ref[...]
    m = jnp.max(x, axis=-1, keepdims=True)
    iota = lax.broadcasted_iota(
        jnp.int32, (_TB, _CHUNK, _C), 2).astype(jnp.float32)
    af = jnp.min(jnp.where(x == m, iota, float(_C)), axis=-1)
    valid = jnp.max(x, axis=-1) > 0.0
    lab_ref[...] = jnp.where(valid, af.astype(jnp.int32), -1)


def _sc2_body(labs_hbm, labt_hbm, boxes_hbm,
              labels_out_hbm, boxes_out_hbm, counts_hbm,
              lbl_st, bbuf, box_st, vscr, sem_l, sem_b):
    cid = lax.axis_index("c")
    sid = lax.axis_index("s")
    wid = sid * _NC + cid
    b0 = wid * _BPW

    lane = lax.iota(jnp.int32, _L)
    lane_d4 = jnp.right_shift(lane, 2)
    box_sel = [lane_d4 + (4 * k) for k in range(4)]

    cps = []
    for i in range(_BPW):
        cps.append(pltpu.async_copy(
            labs_hbm.at[b0 + i], lbl_st.at[pl.ds(i * _Q, _QS)], sem_l))
        cps.append(pltpu.async_copy(
            labt_hbm.at[b0 + i],
            lbl_st.at[pl.ds(i * _Q + _QS, _QT)], sem_l))
        cps.append(pltpu.async_copy(
            boxes_hbm.at[b0 + i], bbuf.at[pl.ds(i * _Q * 4, _Q * 4)], sem_b))
    for cp in cps:
        cp.wait()

    def grp_body(grp, cnt):
        row0 = grp * _L
        lv = lbl_st[pl.ds(row0, _L)]
        validf = jnp.where(lv >= 0, 1.0, 0.0)
        cnt = cnt + validf
        vscr[...] = validf
        off = row0 * 4
        for k in range(4):
            mv = plsc.load_gather(vscr, [box_sel[k]])
            bx = bbuf[pl.ds(off + k * _L, _L)]
            box_st[pl.ds(off + k * _L, _L)] = jnp.where(mv > 0.0, bx, 0.0)
        return cnt

    cnt = lax.fori_loop(0, (_BPW * _Q) // _L, grp_body,
                        jnp.zeros((_L,), jnp.float32))

    vscr[...] = cnt
    pltpu.sync_copy(vscr, counts_hbm.at[wid])
    for i in range(_BPW):
        pltpu.sync_copy(lbl_st.at[pl.ds(i * _Q, _Q)],
                        labels_out_hbm.at[b0 + i])
        pltpu.sync_copy(box_st.at[pl.ds(i * _Q * 4, _Q * 4)],
                        boxes_out_hbm.at[b0 + i])


def _finalize_body(cref, oref):
    oref[...] = lax.broadcast(jnp.maximum(jnp.sum(cref[...]), 1.0), (1, 1))


def kernel(pred_logits, pred_boxes):
    boxes2d = pred_boxes.reshape(_B, _Q * 4)
    mesh = plsc.VectorSubcoreMesh(core_axis_name="c", subcore_axis_name="s")
    labels_sc = pl.kernel(
        _sc_body,
        out_type=jax.ShapeDtypeStruct((_B, _QS), jnp.int32),
        mesh=mesh,
        compiler_params=pltpu.CompilerParams(needs_layout_passes=False),
        scratch_types=[
            pltpu.VMEM((_CHUNK, _C), jnp.float32),
            pltpu.VMEM((_CHUNK, _C), jnp.float32),
            pltpu.VMEM((_RPW,), jnp.int32),
            pltpu.SemaphoreType.DMA,
            pltpu.SemaphoreType.DMA,
        ],
    )(pred_logits)
    labels_tc = pl.pallas_call(
        _tc_body,
        grid=(_B // _TB, _QT // _CHUNK),
        in_specs=[
            pl.BlockSpec((_TB, _CHUNK, _C), lambda i, j: (i, _KQ + j, 0)),
        ],
        out_specs=pl.BlockSpec((_TB, _CHUNK), lambda i, j: (i, j)),
        out_shape=jax.ShapeDtypeStruct((_B, _QT), jnp.int32),
    )(pred_logits)
    labels, boxes2d_out, counts = pl.kernel(
        _sc2_body,
        out_type=(
            jax.ShapeDtypeStruct((_B, _Q), jnp.int32),
            jax.ShapeDtypeStruct((_B, _Q * 4), jnp.float32),
            jax.ShapeDtypeStruct((_NW, _L), jnp.float32),
        ),
        mesh=mesh,
        compiler_params=pltpu.CompilerParams(needs_layout_passes=False),
        scratch_types=[
            pltpu.VMEM((_BPW * _Q,), jnp.int32),
            pltpu.VMEM((_BPW * _Q * 4,), jnp.float32),
            pltpu.VMEM((_BPW * _Q * 4,), jnp.float32),
            pltpu.VMEM((_L,), jnp.float32),
            pltpu.SemaphoreType.DMA,
            pltpu.SemaphoreType.DMA,
        ],
    )(labels_sc, labels_tc, boxes2d)
    num_boxes = pl.pallas_call(
        _finalize_body,
        out_shape=jax.ShapeDtypeStruct((1, 1), jnp.float32),
    )(counts)[0, 0]
    return labels, boxes2d_out.reshape(_B, _Q, 4), num_boxes

# --- scband reference (transcript-rebuilt; emitter-appended) ---
"""Pipeline reference for scband-cdn-pseudo-resetter-7799660610103 (READ-ONLY COPY).

The authoritative reference and input builder live on the scoring server;
editing this copy changes nothing except your own understanding.
"""

import jax, jax.numpy as jnp
import numpy as np


def setup_inputs(seed: int = 0) -> dict:
    key = jax.random.key(seed)
    k1, k2 = jax.random.split(key)
    pred_logits = jax.random.normal(k1, (64, 2048, 256), dtype=jnp.float32)
    pred_boxes = jax.random.uniform(k2, (64, 2048, 4), dtype=jnp.float32)
    return {"pred_logits": pred_logits, "pred_boxes": pred_boxes}


def reference(pred_logits, pred_boxes):
    # Faithful jax translation of cdnPseudoResetter.forward.
    # torch forward takes teacher_outputs dict; flattened here to
    # pred_logits [B, Q, C] and pred_boxes [B, Q, 4].
    # The per-batch nonzero() produces dynamic shapes; for a fixed-shape
    # jax reference we return the dense masked equivalents:
    #   labels: argmax class where score_max > threshold, else -1 (padding)
    #   boxes:  pred_boxes where valid, else 0 (padding)
    # which carry identical information to the ragged pseudo_targets list.
    threshold = 0.5
    score = jax.nn.sigmoid(pred_logits)
    score_max = jnp.max(score, axis=-1)
    score_argmax = jnp.argmax(score, axis=-1)
    valid_mask = score_max > threshold
    labels = jnp.where(valid_mask, score_argmax, -1)
    boxes = jnp.where(valid_mask[..., None], pred_boxes, 0.0)
    # single-process: all_reduce is identity, world_size = 1
    num_boxes = jnp.maximum(jnp.sum(valid_mask).astype(jnp.float32), 1.0)
    return labels, boxes, num_boxes

if __name__ == "__main__":
    import jax
    _d = setup_inputs()
    print(jax.jit(kernel)(*tuple(_d.values())))

</pallas_src>

<mosaic_0001>
#map = affine_map<(d0, d1) -> (0, 0)>
module attributes {stable_mosaic.version = 14 : i64} {
  func.func @_sc2_body(%arg0: i32, %arg1: i32, %arg2: memref<64x896xi32, #tpu.memory_space<hbm>>, %arg3: memref<64x1152xi32, #tpu.memory_space<hbm>>, %arg4: memref<64x8192xf32, #tpu.memory_space<hbm>>, %arg5: memref<64x2048xi32, #tpu.memory_space<hbm>>, %arg6: memref<64x8192xf32, #tpu.memory_space<hbm>>, %arg7: memref<32x16xf32, #tpu.memory_space<hbm>>, %arg8: memref<4096xi32, #tpu.memory_space<vmem>>, %arg9: memref<16384xf32, #tpu.memory_space<vmem>>, %arg10: memref<16384xf32, #tpu.memory_space<vmem>>, %arg11: memref<16xf32, #tpu.memory_space<vmem>>, %arg12: memref<!tpu.dma_semaphore, #tpu.memory_space<semaphore_mem>>, %arg13: memref<!tpu.dma_semaphore, #tpu.memory_space<semaphore_mem>>) attributes {dimension_semantics = [#tpu.dimension_semantics<core_parallel>, #tpu.dimension_semantics<subcore_parallel>], iteration_bounds = array<i64: 2, 16>, scalar_prefetch = 0 : i64, scratch_operands = 6 : i64, tpu.core_type = #tpu.core_type<sc_vector_subcore>, window_params = [{transform_indices = #map}, {transform_indices = #map}, {transform_indices = #map}, {transform_indices = #map}, {transform_indices = #map}, {transform_indices = #map}]} {
    %mul3A = arith.constant 2 : i32
    %mul3A_0 = arith.muli %arg1, %mul3A : i32
    %add3A = arith.addi %mul3A_0, %arg0 : i32
    %mul3A_1 = arith.constant 2 : i32
    %mul3A_2 = arith.muli %add3A, %mul3A_1 : i32
    %iota3A = tpu.iota {dimensions = array<i32: 0>} : vector<16xi32>
    %shift_right_arithmetic3A = arith.constant 2 : i32
    %shift_right_arithmetic3A_3 = vector.broadcast %shift_right_arithmetic3A : i32 to vector<16xi32>
    %shift_right_arithmetic3A_4 = arith.shrsi %iota3A, %shift_right_arithmetic3A_3 : vector<16xi32>
    %add3A_5 = arith.constant 0 : i32
    %add3A_6 = vector.broadcast %add3A_5 : i32 to vector<16xi32>
    %add3A_7 = arith.addi %shift_right_arithmetic3A_4, %add3A_6 : vector<16xi32>
    %add3A_8 = arith.constant 4 : i32
    %add3A_9 = vector.broadcast %add3A_8 : i32 to vector<16xi32>
    %add3A_10 = arith.addi %shift_right_arithmetic3A_4, %add3A_9 : vector<16xi32>
    %add3A_11 = arith.constant 8 : i32
    %add3A_12 = vector.broadcast %add3A_11 : i32 to vector<16xi32>
    %add3A_13 = arith.addi %shift_right_arithmetic3A_4, %add3A_12 : vector<16xi32>
    %add3A_14 = arith.constant 12 : i32
    %add3A_15 = vector.broadcast %add3A_14 : i32 to vector<16xi32>
    %add3A_16 = arith.addi %shift_right_arithmetic3A_4, %add3A_15 : vector<16xi32>
    %add3A_17 = arith.constant 0 : i32
    %add3A_18 = arith.addi %mul3A_2, %add3A_17 : i32
    %dma_start3A = arith.constant 0 : i32
    %dma_start3A_19 = tpu.memref_slice %arg8[%dma_start3A] : memref<4096xi32, #tpu.memory_space<vmem>> -> memref<896xi32, #tpu.memory_space<vmem>>
    %dma_start3A_20 = arith.constant 0 : i32
    %dma_start3A_21 = tpu.memref_slice %arg2[%add3A_18, %dma_start3A_20] : memref<64x896xi32, #tpu.memory_space<hbm>> -> memref<1x896xi32, #tpu.memory_space<hbm>>
    %dma_start3A_22 = tpu.memref_squeeze %dma_start3A_21 : memref<1x896xi32, #tpu.memory_space<hbm>> -> memref<896xi32, #tpu.memory_space<hbm>>
    %dma_start3A_23 = arith.constant 0 : i32
    %dma_start3A_24 = tpu.memref_slice %arg8[%dma_start3A_23] : memref<4096xi32, #tpu.memory_space<vmem>> -> memref<896xi32, #tpu.memory_space<vmem>>
    %dma_start3A_25 = arith.constant 0 : i32
    %dma_start3A_26 = tpu.memref_slice %arg2[%add3A_18, %dma_start3A_25] : memref<64x896xi32, #tpu.memory_space<hbm>> -> memref<1x896xi32, #tpu.memory_space<hbm>>
    %dma_start3A_27 = tpu.memref_squeeze %dma_start3A_26 : memref<1x896xi32, #tpu.memory_space<hbm>> -> memref<896xi32, #tpu.memory_space<hbm>>
    tpu.enqueue_dma source(%dma_start3A_27 : memref<896xi32, #tpu.memory_space<hbm>>) target(%dma_start3A_24 : memref<896xi32, #tpu.memory_space<vmem>>) target_semaphore(%arg12 : memref<!tpu.dma_semaphore, #tpu.memory_space<semaphore_mem>>)
    %add3A_28 = arith.constant 0 : i32
    %add3A_29 = arith.addi %mul3A_2, %add3A_28 : i32
    %dma_start3A_30 = arith.constant 896 : i32
    %dma_start3A_31 = tpu.memref_slice %arg8[%dma_start3A_30] : memref<4096xi32, #tpu.memory_space<vmem>> -> memref<1152xi32, #tpu.memory_space<vmem>>
    %dma_start3A_32 = arith.constant 0 : i32
    %dma_start3A_33 = tpu.memref_slice %arg3[%add3A_29, %dma_start3A_32] : memref<64x1152xi32, #tpu.memory_space<hbm>> -> memref<1x1152xi32, #tpu.memory_space<hbm>>
    %dma_start3A_34 = tpu.memref_squeeze %dma_start3A_33 : memref<1x1152xi32, #tpu.memory_space<hbm>> -> memref<1152xi32, #tpu.memory_space<hbm>>
    %dma_start3A_35 = arith.constant 896 : i32
    %dma_start3A_36 = tpu.memref_slice %arg8[%dma_start3A_35] : memref<4096xi32, #tpu.memory_space<vmem>> -> memref<1152xi32, #tpu.memory_space<vmem>>
    %dma_start3A_37 = arith.constant 0 : i32
    %dma_start3A_38 = tpu.memref_slice %arg3[%add3A_29, %dma_start3A_37] : memref<64x1152xi32, #tpu.memory_space<hbm>> -> memref<1x1152xi32, #tpu.memory_space<hbm>>
    %dma_start3A_39 = tpu.memref_squeeze %dma_start3A_38 : memref<1x1152xi32, #tpu.memory_space<hbm>> -> memref<1152xi32, #tpu.memory_space<hbm>>
    tpu.enqueue_dma source(%dma_start3A_39 : memref<1152xi32, #tpu.memory_space<hbm>>) target(%dma_start3A_36 : memref<1152xi32, #tpu.memory_space<vmem>>) target_semaphore(%arg12 : memref<!tpu.dma_semaphore, #tpu.memory_space<semaphore_mem>>)
    %add3A_40 = arith.constant 0 : i32
    %add3A_41 = arith.addi %mul3A_2, %add3A_40 : i32
    %dma_start3A_42 = arith.constant 0 : i32
    %dma_start3A_43 = tpu.memref_slice %arg9[%dma_start3A_42] : memref<16384xf32, #tpu.memory_space<vmem>> -> memref<8192xf32, #tpu.memory_space<vmem>>
    %dma_start3A_44 = arith.constant 0 : i32
    %dma_start3A_45 = tpu.memref_slice %arg4[%add3A_41, %dma_start3A_44] : memref<64x8192xf32, #tpu.memory_space<hbm>> -> memref<1x8192xf32, #tpu.memory_space<hbm>>
    %dma_start3A_46 = tpu.memref_squeeze %dma_start3A_45 : memref<1x8192xf32, #tpu.memory_space<hbm>> -> memref<8192xf32, #tpu.memory_space<hbm>>
    %dma_start3A_47 = arith.constant 0 : i32
    %dma_start3A_48 = tpu.memref_slice %arg9[%dma_start3A_47] : memref<16384xf32, #tpu.memory_space<vmem>> -> memref<8192xf32, #tpu.memory_space<vmem>>
    %dma_start3A_49 = arith.constant 0 : i32
    %dma_start3A_50 = tpu.memref_slice %arg4[%add3A_41, %dma_start3A_49] : memref<64x8192xf32, #tpu.memory_space<hbm>> -> memref<1x8192xf32, #tpu.memory_space<hbm>>
    %dma_start3A_51 = tpu.memref_squeeze %dma_start3A_50 : memref<1x8192xf32, #tpu.memory_space<hbm>> -> memref<8192xf32, #tpu.memory_space<hbm>>
    tpu.enqueue_dma source(%dma_start3A_51 : memref<8192xf32, #tpu.memory_space<hbm>>) target(%dma_start3A_48 : memref<8192xf32, #tpu.memory_space<vmem>>) target_semaphore(%arg13 : memref<!tpu.dma_semaphore, #tpu.memory_space<semaphore_mem>>)
    %add3A_52 = arith.constant 1 : i32
    %add3A_53 = arith.addi %mul3A_2, %add3A_52 : i32
    %dma_start3A_54 = arith.constant 2048 : i32
    %dma_start3A_55 = tpu.memref_slice %arg8[%dma_start3A_54] : memref<4096xi32, #tpu.memory_space<vmem>> -> memref<896xi32, #tpu.memory_space<vmem>>
    %dma_start3A_56 = arith.constant 0 : i32
    %dma_start3A_57 = tpu.memref_slice %arg2[%add3A_53, %dma_start3A_56] : memref<64x896xi32, #tpu.memory_space<hbm>> -> memref<1x896xi32, #tpu.memory_space<hbm>>
    %dma_start3A_58 = tpu.memref_squeeze %dma_start3A_57 : memref<1x896xi32, #tpu.memory_space<hbm>> -> memref<896xi32, #tpu.memory_space<hbm>>
    %dma_start3A_59 = arith.constant 2048 : i32
    %dma_start3A_60 = tpu.memref_slice %arg8[%dma_start3A_59] : memref<4096xi32, #tpu.memory_space<vmem>> -> memref<896xi32, #tpu.memory_space<vmem>>
    %dma_start3A_61 = arith.constant 0 : i32
    %dma_start3A_62 = tpu.memref_slice %arg2[%add3A_53, %dma_start3A_61] : memref<64x896xi32, #tpu.memory_space<hbm>> -> memref<1x896xi32, #tpu.memory_space<hbm>>
    %dma_start3A_63 = tpu.memref_squeeze %dma_start3A_62 : memref<1x896xi32, #tpu.memory_space<hbm>> -> memref<896xi32, #tpu.memory_space<hbm>>
    tpu.enqueue_dma source(%dma_start3A_63 : memref<896xi32, #tpu.memory_space<hbm>>) target(%dma_start3A_60 : memref<896xi32, #tpu.memory_space<vmem>>) target_semaphore(%arg12 : memref<!tpu.dma_semaphore, #tpu.memory_space<semaphore_mem>>)
    %add3A_64 = arith.constant 1 : i32
    %add3A_65 = arith.addi %mul3A_2, %add3A_64 : i32
    %dma_start3A_66 = arith.constant 2944 : i32
    %dma_start3A_67 = tpu.memref_slice %arg8[%dma_start3A_66] : memref<4096xi32, #tpu.memory_space<vmem>> -> memref<1152xi32, #tpu.memory_space<vmem>>
    %dma_start3A_68 = arith.constant 0 : i32
    %dma_start3A_69 = tpu.memref_slice %arg3[%add3A_65, %dma_start3A_68] : memref<64x1152xi32, #tpu.memory_space<hbm>> -> memref<1x1152xi32, #tpu.memory_space<hbm>>
    %dma_start3A_70 = tpu.memref_squeeze %dma_start3A_69 : memref<1x1152xi32, #tpu.memory_space<hbm>> -> memref<1152xi32, #tpu.memory_space<hbm>>
    %dma_start3A_71 = arith.constant 2944 : i32
    %dma_start3A_72 = tpu.memref_slice %arg8[%dma_start3A_71] : memref<4096xi32, #tpu.memory_space<vmem>> -> memref<1152xi32, #tpu.memory_space<vmem>>
    %dma_start3A_73 = arith.constant 0 : i32
    %dma_start3A_74 = tpu.memref_slice %arg3[%add3A_65, %dma_start3A_73] : memref<64x1152xi32, #tpu.memory_space<hbm>> -> memref<1x1152xi32, #tpu.memory_space<hbm>>
    %dma_start3A_75 = tpu.memref_squeeze %dma_start3A_74 : memref<1x1152xi32, #tpu.memory_space<hbm>> -> memref<1152xi32, #tpu.memory_space<hbm>>
    tpu.enqueue_dma source(%dma_start3A_75 : memref<1152xi32, #tpu.memory_space<hbm>>) target(%dma_start3A_72 : memref<1152xi32, #tpu.memory_space<vmem>>) target_semaphore(%arg12 : memref<!tpu.dma_semaphore, #tpu.memory_space<semaphore_mem>>)
    %add3A_76 = arith.constant 1 : i32
    %add3A_77 = arith.addi %mul3A_2, %add3A_76 : i32
    %dma_start3A_78 = arith.constant 8192 : i32
    %dma_start3A_79 = tpu.memref_slice %arg9[%dma_start3A_78] : memref<16384xf32, #tpu.memory_space<vmem>> -> memref<8192xf32, #tpu.memory_space<vmem>>
    %dma_start3A_80 = arith.constant 0 : i32
    %dma_start3A_81 = tpu.memref_slice %arg4[%add3A_77, %dma_start3A_80] : memref<64x8192xf32, #tpu.memory_space<hbm>> -> memref<1x8192xf32, #tpu.memory_space<hbm>>
    %dma_start3A_82 = tpu.memref_squeeze %dma_start3A_81 : memref<1x8192xf32, #tpu.memory_space<hbm>> -> memref<8192xf32, #tpu.memory_space<hbm>>
    %dma_start3A_83 = arith.constant 8192 : i32
    %dma_start3A_84 = tpu.memref_slice %arg9[%dma_start3A_83] : memref<16384xf32, #tpu.memory_space<vmem>> -> memref<8192xf32, #tpu.memory_space<vmem>>
    %dma_start3A_85 = arith.constant 0 : i32
    %dma_start3A_86 = tpu.memref_slice %arg4[%add3A_77, %dma_start3A_85] : memref<64x8192xf32, #tpu.memory_space<hbm>> -> memref<1x8192xf32, #tpu.memory_space<hbm>>
    %dma_start3A_87 = tpu.memref_squeeze %dma_start3A_86 : memref<1x8192xf32, #tpu.memory_space<hbm>> -> memref<8192xf32, #tpu.memory_space<hbm>>
    tpu.enqueue_dma source(%dma_start3A_87 : memref<8192xf32, #tpu.memory_space<hbm>>) target(%dma_start3A_84 : memref<8192xf32, #tpu.memory_space<vmem>>) target_semaphore(%arg13 : memref<!tpu.dma_semaphore, #tpu.memory_space<semaphore_mem>>)
    %dma_wait3A = arith.constant 0 : i32
    %dma_wait3A_88 = tpu.memref_slice %arg8[%dma_wait3A] : memref<4096xi32, #tpu.memory_space<vmem>> -> memref<896xi32, #tpu.memory_space<vmem>>
    %dma_wait3A_89 = arith.constant 0 : i32
    %dma_wait3A_90 = tpu.memref_slice %arg2[%add3A_18, %dma_wait3A_89] : memref<64x896xi32, #tpu.memory_space<hbm>> -> memref<1x896xi32, #tpu.memory_space<hbm>>
    %dma_wait3A_91 = tpu.memref_squeeze %dma_wait3A_90 : memref<1x896xi32, #tpu.memory_space<hbm>> -> memref<896xi32, #tpu.memory_space<hbm>>
    %dma_wait3A_92 = arith.constant 0 : i32
    %dma_wait3A_93 = tpu.memref_slice %arg8[%dma_wait3A_92] : memref<4096xi32, #tpu.memory_space<vmem>> -> memref<896xi32, #tpu.memory_space<vmem>>
    %dma_wait3A_94 = arith.constant 0 : i32
    %dma_wait3A_95 = tpu.memref_slice %arg2[%add3A_18, %dma_wait3A_94] : memref<64x896xi32, #tpu.memory_space<hbm>> -> memref<1x896xi32, #tpu.memory_space<hbm>>
    %dma_wait3A_96 = tpu.memref_squeeze %dma_wait3A_95 : memref<1x896xi32, #tpu.memory_space<hbm>> -> memref<896xi32, #tpu.memory_space<hbm>>
    tpu.wait_dma2 semaphore(%arg12 : memref<!tpu.dma_semaphore, #tpu.memory_space<semaphore_mem>>) src(%dma_wait3A_96 : memref<896xi32, #tpu.memory_space<hbm>>) dst(%dma_wait3A_93 : memref<896xi32, #tpu.memory_space<vmem>>)
    %dma_wait3A_97 = arith.constant 896 : i32
    %dma_wait3A_98 = tpu.memref_slice %arg8[%dma_wait3A_97] : memref<4096xi32, #tpu.memory_space<vmem>> -> memref<1152xi32, #tpu.memory_space<vmem>>
    %dma_wait3A_99 = arith.constant 0 : i32
    %dma_wait3A_100 = tpu.memref_slice %arg3[%add3A_29, %dma_wait3A_99] : memref<64x1152xi32, #tpu.memory_space<hbm>> -> memref<1x1152xi32, #tpu.memory_space<hbm>>
    %dma_wait3A_101 = tpu.memref_squeeze %dma_wait3A_100 : memref<1x1152xi32, #tpu.memory_space<hbm>> -> memref<1152xi32, #tpu.memory_space<hbm>>
    %dma_wait3A_102 = arith.constant 896 : i32
    %dma_wait3A_103 = tpu.memref_slice %arg8[%dma_wait3A_102] : memref<4096xi32, #tpu.memory_space<vmem>> -> memref<1152xi32, #tpu.memory_space<vmem>>
    %dma_wait3A_104 = arith.constant 0 : i32
    %dma_wait3A_105 = tpu.memref_slice %arg3[%add3A_29, %dma_wait3A_104] : memref<64x1152xi32, #tpu.memory_space<hbm>> -> memref<1x1152xi32, #tpu.memory_space<hbm>>
    %dma_wait3A_106 = tpu.memref_squeeze %dma_wait3A_105 : memref<1x1152xi32, #tpu.memory_space<hbm>> -> memref<1152xi32, #tpu.memory_space<hbm>>
    tpu.wait_dma2 semaphore(%arg12 : memref<!tpu.dma_semaphore, #tpu.memory_space<semaphore_mem>>) src(%dma_wait3A_106 : memref<1152xi32, #tpu.memory_space<hbm>>) dst(%dma_wait3A_103 : memref<1152xi32, #tpu.memory_space<vmem>>)
    %dma_wait3A_107 = arith.constant 0 : i32
    %dma_wait3A_108 = tpu.memref_slice %arg9[%dma_wait3A_107] : memref<16384xf32, #tpu.memory_space<vmem>> -> memref<8192xf32, #tpu.memory_space<vmem>>
    %dma_wait3A_109 = arith.constant 0 : i32
    %dma_wait3A_110 = tpu.memref_slice %arg4[%add3A_41, %dma_wait3A_109] : memref<64x8192xf32, #tpu.memory_space<hbm>> -> memref<1x8192xf32, #tpu.memory_space<hbm>>
    %dma_wait3A_111 = tpu.memref_squeeze %dma_wait3A_110 : memref<1x8192xf32, #tpu.memory_space<hbm>> -> memref<8192xf32, #tpu.memory_space<hbm>>
    %dma_wait3A_112 = arith.constant 0 : i32
    %dma_wait3A_113 = tpu.memref_slice %arg9[%dma_wait3A_112] : memref<16384xf32, #tpu.memory_space<vmem>> -> memref<8192xf32, #tpu.memory_space<vmem>>
    %dma_wait3A_114 = arith.constant 0 : i32
    %dma_wait3A_115 = tpu.memref_slice %arg4[%add3A_41, %dma_wait3A_114] : memref<64x8192xf32, #tpu.memory_space<hbm>> -> memref<1x8192xf32, #tpu.memory_space<hbm>>
    %dma_wait3A_116 = tpu.memref_squeeze %dma_wait3A_115 : memref<1x8192xf32, #tpu.memory_space<hbm>> -> memref<8192xf32, #tpu.memory_space<hbm>>
    tpu.wait_dma2 semaphore(%arg13 : memref<!tpu.dma_semaphore, #tpu.memory_space<semaphore_mem>>) src(%dma_wait3A_116 : memref<8192xf32, #tpu.memory_space<hbm>>) dst(%dma_wait3A_113 : memref<8192xf32, #tpu.memory_space<vmem>>)
    %dma_wait3A_117 = arith.constant 2048 : i32
    %dma_wait3A_118 = tpu.memref_slice %arg8[%dma_wait3A_117] : memref<4096xi32, #tpu.memory_space<vmem>> -> memref<896xi32, #tpu.memory_space<vmem>>
    %dma_wait3A_119 = arith.constant 0 : i32
    %dma_wait3A_120 = tpu.memref_slice %arg2[%add3A_53, %dma_wait3A_119] : memref<64x896xi32, #tpu.memory_space<hbm>> -> memref<1x896xi32, #tpu.memory_space<hbm>>
    %dma_wait3A_121 = tpu.memref_squeeze %dma_wait3A_120 : memref<1x896xi32, #tpu.memory_space<hbm>> -> memref<896xi32, #tpu.memory_space<hbm>>
    %dma_wait3A_122 = arith.constant 2048 : i32
    %dma_wait3A_123 = tpu.memref_slice %arg8[%dma_wait3A_122] : memref<4096xi32, #tpu.memory_space<vmem>> -> memref<896xi32, #tpu.memory_space<vmem>>
    %dma_wait3A_124 = arith.constant 0 : i32
    %dma_wait3A_125 = tpu.memref_slice %arg2[%add3A_53, %dma_wait3A_124] : memref<64x896xi32, #tpu.memory_space<hbm>> -> memref<1x896xi32, #tpu.memory_space<hbm>>
    %dma_wait3A_126 = tpu.memref_squeeze %dma_wait3A_125 : memref<1x896xi32, #tpu.memory_space<hbm>> -> memref<896xi32, #tpu.memory_space<hbm>>
    tpu.wait_dma2 semaphore(%arg12 : memref<!tpu.dma_semaphore, #tpu.memory_space<semaphore_mem>>) src(%dma_wait3A_126 : memref<896xi32, #tpu.memory_space<hbm>>) dst(%dma_wait3A_123 : memref<896xi32, #tpu.memory_space<vmem>>)
    %dma_wait3A_127 = arith.constant 2944 : i32
    %dma_wait3A_128 = tpu.memref_slice %arg8[%dma_wait3A_127] : memref<4096xi32, #tpu.memory_space<vmem>> -> memref<1152xi32, #tpu.memory_space<vmem>>
    %dma_wait3A_129 = arith.constant 0 : i32
    %dma_wait3A_130 = tpu.memref_slice %arg3[%add3A_65, %dma_wait3A_129] : memref<64x1152xi32, #tpu.memory_space<hbm>> -> memref<1x1152xi32, #tpu.memory_space<hbm>>
    %dma_wait3A_131 = tpu.memref_squeeze %dma_wait3A_130 : memref<1x1152xi32, #tpu.memory_space<hbm>> -> memref<1152xi32, #tpu.memory_space<hbm>>
    %dma_wait3A_132 = arith.constant 2944 : i32
    %dma_wait3A_133 = tpu.memref_slice %arg8[%dma_wait3A_132] : memref<4096xi32, #tpu.memory_space<vmem>> -> memref<1152xi32, #tpu.memory_space<vmem>>
    %dma_wait3A_134 = arith.constant 0 : i32
    %dma_wait3A_135 = tpu.memref_slice %arg3[%add3A_65, %dma_wait3A_134] : memref<64x1152xi32, #tpu.memory_space<hbm>> -> memref<1x1152xi32, #tpu.memory_space<hbm>>
    %dma_wait3A_136 = tpu.memref_squeeze %dma_wait3A_135 : memref<1x1152xi32, #tpu.memory_space<hbm>> -> memref<1152xi32, #tpu.memory_space<hbm>>
    tpu.wait_dma2 semaphore(%arg12 : memref<!tpu.dma_semaphore, #tpu.memory_space<semaphore_mem>>) src(%dma_wait3A_136 : memref<1152xi32, #tpu.memory_space<hbm>>) dst(%dma_wait3A_133 : memref<1152xi32, #tpu.memory_space<vmem>>)
    %dma_wait3A_137 = arith.constant 8192 : i32
    %dma_wait3A_138 = tpu.memref_slice %arg9[%dma_wait3A_137] : memref<16384xf32, #tpu.memory_space<vmem>> -> memref<8192xf32, #tpu.memory_space<vmem>>
    %dma_wait3A_139 = arith.constant 0 : i32
    %dma_wait3A_140 = tpu.memref_slice %arg4[%add3A_77, %dma_wait3A_139] : memref<64x8192xf32, #tpu.memory_space<hbm>> -> memref<1x8192xf32, #tpu.memory_space<hbm>>
    %dma_wait3A_141 = tpu.memref_squeeze %dma_wait3A_140 : memref<1x8192xf32, #tpu.memory_space<hbm>> -> memref<8192xf32, #tpu.memory_space<hbm>>
    %dma_wait3A_142 = arith.constant 8192 : i32
    %dma_wait3A_143 = tpu.memref_slice %arg9[%dma_wait3A_142] : memref<16384xf32, #tpu.memory_space<vmem>> -> memref<8192xf32, #tpu.memory_space<vmem>>
    %dma_wait3A_144 = arith.constant 0 : i32
    %dma_wait3A_145 = tpu.memref_slice %arg4[%add3A_77, %dma_wait3A_144] : memref<64x8192xf32, #tpu.memory_space<hbm>> -> memref<1x8192xf32, #tpu.memory_space<hbm>>
    %dma_wait3A_146 = tpu.memref_squeeze %dma_wait3A_145 : memref<1x8192xf32, #tpu.memory_space<hbm>> -> memref<8192xf32, #tpu.memory_space<hbm>>
    tpu.wait_dma2 semaphore(%arg13 : memref<!tpu.dma_semaphore, #tpu.memory_space<semaphore_mem>>) src(%dma_wait3A_146 : memref<8192xf32, #tpu.memory_space<hbm>>) dst(%dma_wait3A_143 : memref<8192xf32, #tpu.memory_space<vmem>>)
    %broadcast_in_dim3A = arith.constant 0.000000e+00 : f32
    %broadcast_in_dim3A_147 = vector.broadcast %broadcast_in_dim3A : f32 to vector<16xf32>
    %scan3A = arith.constant 0 : i32
    %scan3A_148 = arith.constant 256 : i32
    %scan3A_149 = arith.addi %scan3A, %scan3A_148 : i32
    %scan3A_150 = arith.constant 1 : i32
    %scan3A_151 = scf.for %scan3A_162 = %scan3A to %scan3A_149 step %scan3A_150 iter_args(%scan3A_163 = %broadcast_in_dim3A_147) -> (vector<16xf32>)  : i32 {
      %mul3A_164 = arith.constant 16 : i32
      %mul3A_165 = arith.muli %scan3A_162, %mul3A_164 : i32
      %get3A = arith.index_cast %mul3A_165 : i32 to index
      %get3A_166 = tpu.vector_load %arg8[%get3A] {strides = array<i32>} : memref<4096xi32, #tpu.memory_space<vmem>>, vector<16xi32>,
      %ge3A = arith.constant 0 : i32
      %ge3A_167 = vector.broadcast %ge3A : i32 to vector<16xi32>
      %ge3A_168 = arith.cmpi sge, %get3A_166, %ge3A_167 : vector<16xi32>
      %jit3A = arith.constant 1.000000e+00 : f32
      %jit3A_169 = arith.constant 0.000000e+00 : f32
      %broadcast_in_dim3A_170 = vector.broadcast %jit3A : f32 to vector<16xf32>
      %broadcast_in_dim3A_171 = vector.broadcast %jit3A_169 : f32 to vector<16xf32>
      %select_n3A = arith.select %ge3A_168, %broadcast_in_dim3A_170, %broadcast_in_dim3A_171 : vector<16xi1>, vector<16xf32>
      %add3A_172 = arith.addf %scan3A_163, %select_n3A : vector<16xf32>
      %swap3A_173 = arith.constant 0 : index
      %swap3A_174 = tpu.vector_load %arg11[%swap3A_173] {strides = array<i32>} : memref<16xf32, #tpu.memory_space<vmem>>, vector<16xf32>,
      tpu.vector_store %arg11[%swap3A_173], %select_n3A {strides = array<i32>} : memref<16xf32, #tpu.memory_space<vmem>>, vector<16xf32>,
      %mul3A_175 = arith.constant 4 : i32
      %mul3A_176 = arith.muli %mul3A_165, %mul3A_175 : i32
      %gather3A = tpu.vector_load_idx %arg11[%add3A_7] : memref<16xf32, #tpu.memory_space<vmem>>[vector<16xi32>], vector<16xf32>,
      %add3A_177 = arith.constant 0 : i32
      %add3A_178 = arith.addi %mul3A_176, %add3A_177 : i32
      %get3A_179 = arith.index_cast %add3A_178 : i32 to index
      %get3A_180 = tpu.vector_load %arg9[%get3A_179] {strides = array<i32>} : memref<16384xf32, #tpu.memory_space<vmem>>, vector<16xf32>,
      %gt3A = arith.constant 0.000000e+00 : f32
      %gt3A_181 = vector.broadcast %gt3A : f32 to vector<16xf32>
      %gt3A_182 = arith.cmpf ogt, %gather3A, %gt3A_181 : vector<16xf32>
      %jit3A_183 = arith.constant 0.000000e+00 : f32
      %broadcast_in_dim3A_184 = vector.broadcast %jit3A_183 : f32 to vector<16xf32>
      %select_n3A_185 = arith.select %gt3A_182, %get3A_180, %broadcast_in_dim3A_184 : vector<16xi1>, vector<16xf32>
      %add3A_186 = arith.constant 0 : i32
      %add3A_187 = arith.addi %mul3A_176, %add3A_186 : i32
      %swap3A_188 = arith.index_cast %add3A_187 : i32 to index
      %swap3A_189 = tpu.vector_load %arg10[%swap3A_188] {strides = array<i32>} : memref<16384xf32, #tpu.memory_space<vmem>>, vector<16xf32>,
      tpu.vector_store %arg10[%swap3A_188], %select_n3A_185 {strides = array<i32>} : memref<16384xf32, #tpu.memory_space<vmem>>, vector<16xf32>,
      %gather3A_190 = tpu.vector_load_idx %arg11[%add3A_10] : memref<16xf32, #tpu.memory_space<vmem>>[vector<16xi32>], vector<16xf32>,
      %add3A_191 = arith.constant 16 : i32
      %add3A_192 = arith.addi %mul3A_176, %add3A_191 : i32
      %get3A_193 = arith.index_cast %add3A_192 : i32 to index
      %get3A_194 = tpu.vector_load %arg9[%get3A_193] {strides = array<i32>} : memref<16384xf32, #tpu.memory_space<vmem>>, vector<16xf32>,
      %gt3A_195 = arith.constant 0.000000e+00 : f32
      %gt3A_196 = vector.broadcast %gt3A_195 : f32 to vector<16xf32>
      %gt3A_197 = arith.cmpf ogt, %gather3A_190, %gt3A_196 : vector<16xf32>
      %jit3A_198 = arith.constant 0.000000e+00 : f32
      %broadcast_in_dim3A_199 = vector.broadcast %jit3A_198 : f32 to vector<16xf32>
      %select_n3A_200 = arith.select %gt3A_197, %get3A_194, %broadcast_in_dim3A_199 : vector<16xi1>, vector<16xf32>
      %add3A_201 = arith.constant 16 : i32
      %add3A_202 = arith.addi %mul3A_176, %add3A_201 : i32
      %swap3A_203 = arith.index_cast %add3A_202 : i32 to index
      %swap3A_204 = tpu.vector_load %arg10[%swap3A_203] {strides = array<i32>} : memref<16384xf32, #tpu.memory_space<vmem>>, vector<16xf32>,
      tpu.vector_store %arg10[%swap3A_203], %select_n3A_200 {strides = array<i32>} : memref<16384xf32, #tpu.memory_space<vmem>>, vector<16xf32>,
      %gather3A_205 = tpu.vector_load_idx %arg11[%add3A_13] : memref<16xf32, #tpu.memory_space<vmem>>[vector<16xi32>], vector<16xf32>,
      %add3A_206 = arith.constant 32 : i32
      %add3A_207 = arith.addi %mul3A_176, %add3A_206 : i32
      %get3A_208 = arith.index_cast %add3A_207 : i32 to index
      %get3A_209 = tpu.vector_load %arg9[%get3A_208] {strides = array<i32>} : memref<16384xf32, #tpu.memory_space<vmem>>, vector<16xf32>,
      %gt3A_210 = arith.constant 0.000000e+00 : f32
      %gt3A_211 = vector.broadcast %gt3A_210 : f32 to vector<16xf32>
      %gt3A_212 = arith.cmpf ogt, %gather3A_205, %gt3A_211 : vector<16xf32>
      %jit3A_213 = arith.constant 0.000000e+00 : f32
      %broadcast_in_dim3A_214 = vector.broadcast %jit3A_213 : f32 to vector<16xf32>
      %select_n3A_215 = arith.select %gt3A_212, %get3A_209, %broadcast_in_dim3A_214 : vector<16xi1>, vector<16xf32>
      %add3A_216 = arith.constant 32 : i32
      %add3A_217 = arith.addi %mul3A_176, %add3A_216 : i32
      %swap3A_218 = arith.index_cast %add3A_217 : i32 to index
      %swap3A_219 = tpu.vector_load %arg10[%swap3A_218] {strides = array<i32>} : memref<16384xf32, #tpu.memory_space<vmem>>, vector<16xf32>,
      tpu.vector_store %arg10[%swap3A_218], %select_n3A_215 {strides = array<i32>} : memref<16384xf32, #tpu.memory_space<vmem>>, vector<16xf32>,
      %gather3A_220 = tpu.vector_load_idx %arg11[%add3A_16] : memref<16xf32, #tpu.memory_space<vmem>>[vector<16xi32>], vector<16xf32>,
      %add3A_221 = arith.constant 48 : i32
      %add3A_222 = arith.addi %mul3A_176, %add3A_221 : i32
      %get3A_223 = arith.index_cast %add3A_222 : i32 to index
      %get3A_224 = tpu.vector_load %arg9[%get3A_223] {strides = array<i32>} : memref<16384xf32, #tpu.memory_space<vmem>>, vector<16xf32>,
      %gt3A_225 = arith.constant 0.000000e+00 : f32
      %gt3A_226 = vector.broadcast %gt3A_225 : f32 to vector<16xf32>
      %gt3A_227 = arith.cmpf ogt, %gather3A_220, %gt3A_226 : vector<16xf32>
      %jit3A_228 = arith.constant 0.000000e+00 : f32
      %broadcast_in_dim3A_229 = vector.broadcast %jit3A_228 : f32 to vector<16xf32>
      %select_n3A_230 = arith.select %gt3A_227, %get3A_224, %broadcast_in_dim3A_229 : vector<16xi1>, vector<16xf32>
      %add3A_231 = arith.constant 48 : i32
      %add3A_232 = arith.addi %mul3A_176, %add3A_231 : i32
      %swap3A_233 = arith.index_cast %add3A_232 : i32 to index
      %swap3A_234 = tpu.vector_load %arg10[%swap3A_233] {strides = array<i32>} : memref<16384xf32, #tpu.memory_space<vmem>>, vector<16xf32>,
      tpu.vector_store %arg10[%swap3A_233], %select_n3A_230 {strides = array<i32>} : memref<16384xf32, #tpu.memory_space<vmem>>, vector<16xf32>,
      scf.yield %add3A_172 : vector<16xf32>
    }
    %scan3A_152 = arith.constant 256 : i32
    %swap3A = arith.constant 0 : index
    %swap3A_153 = tpu.vector_load %arg11[%swap3A] {strides = array<i32>} : memref<16xf32, #tpu.memory_space<vmem>>, vector<16xf32>,
    tpu.vector_store %arg11[%swap3A], %scan3A_151 {strides = array<i32>} : memref<16xf32, #tpu.memory_space<vmem>>, vector<16xf32>,
    "tpu.region"() ({
      %run_scoped3A = tpu.sem_alloc : memref<!tpu.dma_semaphore, #tpu.memory_space<semaphore_mem>>
      %dma_start3A_162 = arith.constant 0 : i32
      %dma_start3A_163 = tpu.memref_slice %arg7[%add3A, %dma_start3A_162] : memref<32x16xf32, #tpu.memory_space<hbm>> -> memref<1x16xf32, #tpu.memory_space<hbm>>
      %dma_start3A_164 = tpu.memref_squeeze %dma_start3A_163 : memref<1x16xf32, #tpu.memory_space<hbm>> -> memref<16xf32, #tpu.memory_space<hbm>>
      %dma_start3A_165 = arith.constant 0 : i32
      %dma_start3A_166 = tpu.memref_slice %arg7[%add3A, %dma_start3A_165] : memref<32x16xf32, #tpu.memory_space<hbm>> -> memref<1x16xf32, #tpu.memory_space<hbm>>
      %dma_start3A_167 = tpu.memref_squeeze %dma_start3A_166 : memref<1x16xf32, #tpu.memory_space<hbm>> -> memref<16xf32, #tpu.memory_space<hbm>>
      tpu.enqueue_dma source(%arg11 : memref<16xf32, #tpu.memory_space<vmem>>) target(%dma_start3A_167 : memref<16xf32, #tpu.memory_space<hbm>>) target_semaphore(%run_scoped3A : memref<!tpu.dma_semaphore, #tpu.memory_space<semaphore_mem>>)
      %dma_wait3A_168 = arith.constant 0 : i32
      %dma_wait3A_169 = tpu.memref_slice %arg7[%add3A, %dma_wait3A_168] : memref<32x16xf32, #tpu.memory_space<hbm>> -> memref<1x16xf32, #tpu.memory_space<hbm>>
      %dma_wait3A_170 = tpu.memref_squeeze %dma_wait3A_169 : memref<1x16xf32, #tpu.memory_space<hbm>> -> memref<16xf32, #tpu.memory_space<hbm>>
      %dma_wait3A_171 = arith.constant 0 : i32
      %dma_wait3A_172 = tpu.memref_slice %arg7[%add3A, %dma_wait3A_171] : memref<32x16xf32, #tpu.memory_space<hbm>> -> memref<1x16xf32, #tpu.memory_space<hbm>>
      %dma_wait3A_173 = tpu.memref_squeeze %dma_wait3A_172 : memref<1x16xf32, #tpu.memory_space<hbm>> -> memref<16xf32, #tpu.memory_space<hbm>>
      tpu.wait_dma2 semaphore(%run_scoped3A : memref<!tpu.dma_semaphore, #tpu.memory_space<semaphore_mem>>) src(%arg11 : memref<16xf32, #tpu.memory_space<vmem>>) dst(%dma_wait3A_173 : memref<16xf32, #tpu.memory_space<hbm>>)
      tpu.yield
    }) : () -> ()
    %add3A_154 = arith.constant 0 : i32
    %add3A_155 = arith.addi %mul3A_2, %add3A_154 : i32
    "tpu.region"() ({
      %run_scoped3A = tpu.sem_alloc : memref<!tpu.dma_semaphore, #tpu.memory_space<semaphore_mem>>
      %dma_start3A_162 = arith.constant 0 : i32
      %dma_start3A_163 = tpu.memref_slice %arg8[%dma_start3A_162] : memref<4096xi32, #tpu.memory_space<vmem>> -> memref<2048xi32, #tpu.memory_space<vmem>>
      %dma_start3A_164 = arith.constant 0 : i32
      %dma_start3A_165 = tpu.memref_slice %arg5[%add3A_155, %dma_start3A_164] : memref<64x2048xi32, #tpu.memory_space<hbm>> -> memref<1x2048xi32, #tpu.memory_space<hbm>>
      %dma_start3A_166 = tpu.memref_squeeze %dma_start3A_165 : memref<1x2048xi32, #tpu.memory_space<hbm>> -> memref<2048xi32, #tpu.memory_space<hbm>>
      %dma_start3A_167 = arith.constant 0 : i32
      %dma_start3A_168 = tpu.memref_slice %arg5[%add3A_155, %dma_start3A_167] : memref<64x2048xi32, #tpu.memory_space<hbm>> -> memref<1x2048xi32, #tpu.memory_space<hbm>>
      %dma_start3A_169 = tpu.memref_squeeze %dma_start3A_168 : memref<1x2048xi32, #tpu.memory_space<hbm>> -> memref<2048xi32, #tpu.memory_space<hbm>>
      %dma_start3A_170 = arith.constant 0 : i32
      %dma_start3A_171 = tpu.memref_slice %arg8[%dma_start3A_170] : memref<4096xi32, #tpu.memory_space<vmem>> -> memref<2048xi32, #tpu.memory_space<vmem>>
      tpu.enqueue_dma source(%dma_start3A_171 : memref<2048xi32, #tpu.memory_space<vmem>>) target(%dma_start3A_169 : memref<2048xi32, #tpu.memory_space<hbm>>) target_semaphore(%run_scoped3A : memref<!tpu.dma_semaphore, #tpu.memory_space<semaphore_mem>>)
      %dma_wait3A_172 = arith.constant 0 : i32
      %dma_wait3A_173 = tpu.memref_slice %arg8[%dma_wait3A_172] : memref<4096xi32, #tpu.memory_space<vmem>> -> memref<2048xi32, #tpu.memory_space<vmem>>
      %dma_wait3A_174 = arith.constant 0 : i32
      %dma_wait3A_175 = tpu.memref_slice %arg5[%add3A_155, %dma_wait3A_174] : memref<64x2048xi32, #tpu.memory_space<hbm>> -> memref<1x2048xi32, #tpu.memory_space<hbm>>
      %dma_wait3A_176 = tpu.memref_squeeze %dma_wait3A_175 : memref<1x2048xi32, #tpu.memory_space<hbm>> -> memref<2048xi32, #tpu.memory_space<hbm>>
      %dma_wait3A_177 = arith.constant 0 : i32
      %dma_wait3A_178 = tpu.memref_slice %arg5[%add3A_155, %dma_wait3A_177] : memref<64x2048xi32, #tpu.memory_space<hbm>> -> memref<1x2048xi32, #tpu.memory_space<hbm>>
      %dma_wait3A_179 = tpu.memref_squeeze %dma_wait3A_178 : memref<1x2048xi32, #tpu.memory_space<hbm>> -> memref<2048xi32, #tpu.memory_space<hbm>>
      %dma_wait3A_180 = arith.constant 0 : i32
      %dma_wait3A_181 = tpu.memref_slice %arg8[%dma_wait3A_180] : memref<4096xi32, #tpu.memory_space<vmem>> -> memref<2048xi32, #tpu.memory_space<vmem>>
      tpu.wait_dma2 semaphore(%run_scoped3A : memref<!tpu.dma_semaphore, #tpu.memory_space<semaphore_mem>>) src(%dma_wait3A_181 : memref<2048xi32, #tpu.memory_space<vmem>>) dst(%dma_wait3A_179 : memref<2048xi32, #tpu.memory_space<hbm>>)
      tpu.yield
    }) : () -> ()
    %add3A_156 = arith.constant 0 : i32
    %add3A_157 = arith.addi %mul3A_2, %add3A_156 : i32
    "tpu.region"() ({
      %run_scoped3A = tpu.sem_alloc : memref<!tpu.dma_semaphore, #tpu.memory_space<semaphore_mem>>
      %dma_start3A_162 = arith.constant 0 : i32
      %dma_start3A_163 = tpu.memref_slice %arg10[%dma_start3A_162] : memref<16384xf32, #tpu.memory_space<vmem>> -> memref<8192xf32, #tpu.memory_space<vmem>>
      %dma_start3A_164 = arith.constant 0 : i32
      %dma_start3A_165 = tpu.memref_slice %arg6[%add3A_157, %dma_start3A_164] : memref<64x8192xf32, #tpu.memory_space<hbm>> -> memref<1x8192xf32, #tpu.memory_space<hbm>>
      %dma_start3A_166 = tpu.memref_squeeze %dma_start3A_165 : memref<1x8192xf32, #tpu.memory_space<hbm>> -> memref<8192xf32, #tpu.memory_space<hbm>>
      %dma_start3A_167 = arith.constant 0 : i32
      %dma_start3A_168 = tpu.memref_slice %arg6[%add3A_157, %dma_start3A_167] : memref<64x8192xf32, #tpu.memory_space<hbm>> -> memref<1x8192xf32, #tpu.memory_space<hbm>>
      %dma_start3A_169 = tpu.memref_squeeze %dma_start3A_168 : memref<1x8192xf32, #tpu.memory_space<hbm>> -> memref<8192xf32, #tpu.memory_space<hbm>>
      %dma_start3A_170 = arith.constant 0 : i32
      %dma_start3A_171 = tpu.memref_slice %arg10[%dma_start3A_170] : memref<16384xf32, #tpu.memory_space<vmem>> -> memref<8192xf32, #tpu.memory_space<vmem>>
      tpu.enqueue_dma source(%dma_start3A_171 : memref<8192xf32, #tpu.memory_space<vmem>>) target(%dma_start3A_169 : memref<8192xf32, #tpu.memory_space<hbm>>) target_semaphore(%run_scoped3A : memref<!tpu.dma_semaphore, #tpu.memory_space<semaphore_mem>>)
      %dma_wait3A_172 = arith.constant 0 : i32
      %dma_wait3A_173 = tpu.memref_slice %arg10[%dma_wait3A_172] : memref<16384xf32, #tpu.memory_space<vmem>> -> memref<8192xf32, #tpu.memory_space<vmem>>
      %dma_wait3A_174 = arith.constant 0 : i32
      %dma_wait3A_175 = tpu.memref_slice %arg6[%add3A_157, %dma_wait3A_174] : memref<64x8192xf32, #tpu.memory_space<hbm>> -> memref<1x8192xf32, #tpu.memory_space<hbm>>
      %dma_wait3A_176 = tpu.memref_squeeze %dma_wait3A_175 : memref<1x8192xf32, #tpu.memory_space<hbm>> -> memref<8192xf32, #tpu.memory_space<hbm>>
      %dma_wait3A_177 = arith.constant 0 : i32
      %dma_wait3A_178 = tpu.memref_slice %arg6[%add3A_157, %dma_wait3A_177] : memref<64x8192xf32, #tpu.memory_space<hbm>> -> memref<1x8192xf32, #tpu.memory_space<hbm>>
      %dma_wait3A_179 = tpu.memref_squeeze %dma_wait3A_178 : memref<1x8192xf32, #tpu.memory_space<hbm>> -> memref<8192xf32, #tpu.memory_space<hbm>>
      %dma_wait3A_180 = arith.constant 0 : i32
      %dma_wait3A_181 = tpu.memref_slice %arg10[%dma_wait3A_180] : memref<16384xf32, #tpu.memory_space<vmem>> -> memref<8192xf32, #tpu.memory_space<vmem>>
      tpu.wait_dma2 semaphore(%run_scoped3A : memref<!tpu.dma_semaphore, #tpu.memory_space<semaphore_mem>>) src(%dma_wait3A_181 : memref<8192xf32, #tpu.memory_space<vmem>>) dst(%dma_wait3A_179 : memref<8192xf32, #tpu.memory_space<hbm>>)
      tpu.yield
    }) : () -> ()
    %add3A_158 = arith.constant 1 : i32
    %add3A_159 = arith.addi %mul3A_2, %add3A_158 : i32
    "tpu.region"() ({
      %run_scoped3A = tpu.sem_alloc : memref<!tpu.dma_semaphore, #tpu.memory_space<semaphore_mem>>
      %dma_start3A_162 = arith.constant 2048 : i32
      %dma_start3A_163 = tpu.memref_slice %arg8[%dma_start3A_162] : memref<4096xi32, #tpu.memory_space<vmem>> -> memref<2048xi32, #tpu.memory_space<vmem>>
      %dma_start3A_164 = arith.constant 0 : i32
      %dma_start3A_165 = tpu.memref_slice %arg5[%add3A_159, %dma_start3A_164] : memref<64x2048xi32, #tpu.memory_space<hbm>> -> memref<1x2048xi32, #tpu.memory_space<hbm>>
      %dma_start3A_166 = tpu.memref_squeeze %dma_start3A_165 : memref<1x2048xi32, #tpu.memory_space<hbm>> -> memref<2048xi32, #tpu.memory_space<hbm>>
      %dma_start3A_167 = arith.constant 0 : i32
      %dma_start3A_168 = tpu.memref_slice %arg5[%add3A_159, %dma_start3A_167] : memref<64x2048xi32, #tpu.memory_space<hbm>> -> memref<1x2048xi32, #tpu.memory_space<hbm>>
      %dma_start3A_169 = tpu.memref_squeeze %dma_start3A_168 : memref<1x2048xi32, #tpu.memory_space<hbm>> -> memref<2048xi32, #tpu.memory_space<hbm>>
      %dma_start3A_170 = arith.constant 2048 : i32
      %dma_start3A_171 = tpu.memref_slice %arg8[%dma_start3A_170] : memref<4096xi32, #tpu.memory_space<vmem>> -> memref<2048xi32, #tpu.memory_space<vmem>>
      tpu.enqueue_dma source(%dma_start3A_171 : memref<2048xi32, #tpu.memory_space<vmem>>) target(%dma_start3A_169 : memref<2048xi32, #tpu.memory_space<hbm>>) target_semaphore(%run_scoped3A : memref<!tpu.dma_semaphore, #tpu.memory_space<semaphore_mem>>)
      %dma_wait3A_172 = arith.constant 2048 : i32
      %dma_wait3A_173 = tpu.memref_slice %arg8[%dma_wait3A_172] : memref<4096xi32, #tpu.memory_space<vmem>> -> memref<2048xi32, #tpu.memory_space<vmem>>
      %dma_wait3A_174 = arith.constant 0 : i32
      %dma_wait3A_175 = tpu.memref_slice %arg5[%add3A_159, %dma_wait3A_174] : memref<64x2048xi32, #tpu.memory_space<hbm>> -> memref<1x2048xi32, #tpu.memory_space<hbm>>
      %dma_wait3A_176 = tpu.memref_squeeze %dma_wait3A_175 : memref<1x2048xi32, #tpu.memory_space<hbm>> -> memref<2048xi32, #tpu.memory_space<hbm>>
      %dma_wait3A_177 = arith.constant 0 : i32
      %dma_wait3A_178 = tpu.memref_slice %arg5[%add3A_159, %dma_wait3A_177] : memref<64x2048xi32, #tpu.memory_space<hbm>> -> memref<1x2048xi32, #tpu.memory_space<hbm>>
      %dma_wait3A_179 = tpu.memref_squeeze %dma_wait3A_178 : memref<1x2048xi32, #tpu.memory_space<hbm>> -> memref<2048xi32, #tpu.memory_space<hbm>>
      %dma_wait3A_180 = arith.constant 2048 : i32
      %dma_wait3A_181 = tpu.memref_slice %arg8[%dma_wait3A_180] : memref<4096xi32, #tpu.memory_space<vmem>> -> memref<2048xi32, #tpu.memory_space<vmem>>
      tpu.wait_dma2 semaphore(%run_scoped3A : memref<!tpu.dma_semaphore, #tpu.memory_space<semaphore_mem>>) src(%dma_wait3A_181 : memref<2048xi32, #tpu.memory_space<vmem>>) dst(%dma_wait3A_179 : memref<2048xi32, #tpu.memory_space<hbm>>)
      tpu.yield
    }) : () -> ()
    %add3A_160 = arith.constant 1 : i32
    %add3A_161 = arith.addi %mul3A_2, %add3A_160 : i32
    "tpu.region"() ({
      %run_scoped3A = tpu.sem_alloc : memref<!tpu.dma_semaphore, #tpu.memory_space<semaphore_mem>>
      %dma_start3A_162 = arith.constant 8192 : i32
      %dma_start3A_163 = tpu.memref_slice %arg10[%dma_start3A_162] : memref<16384xf32, #tpu.memory_space<vmem>> -> memref<8192xf32, #tpu.memory_space<vmem>>
      %dma_start3A_164 = arith.constant 0 : i32
      %dma_start3A_165 = tpu.memref_slice %arg6[%add3A_161, %dma_start3A_164] : memref<64x8192xf32, #tpu.memory_space<hbm>> -> memref<1x8192xf32, #tpu.memory_space<hbm>>
      %dma_start3A_166 = tpu.memref_squeeze %dma_start3A_165 : memref<1x8192xf32, #tpu.memory_space<hbm>> -> memref<8192xf32, #tpu.memory_space<hbm>>
      %dma_start3A_167 = arith.constant 0 : i32
      %dma_start3A_168 = tpu.memref_slice %arg6[%add3A_161, %dma_start3A_167] : memref<64x8192xf32, #tpu.memory_space<hbm>> -> memref<1x8192xf32, #tpu.memory_space<hbm>>
      %dma_start3A_169 = tpu.memref_squeeze %dma_start3A_168 : memref<1x8192xf32, #tpu.memory_space<hbm>> -> memref<8192xf32, #tpu.memory_space<hbm>>
      %dma_start3A_170 = arith.constant 8192 : i32
      %dma_start3A_171 = tpu.memref_slice %arg10[%dma_start3A_170] : memref<16384xf32, #tpu.memory_space<vmem>> -> memref<8192xf32, #tpu.memory_space<vmem>>
      tpu.enqueue_dma source(%dma_start3A_171 : memref<8192xf32, #tpu.memory_space<vmem>>) target(%dma_start3A_169 : memref<8192xf32, #tpu.memory_space<hbm>>) target_semaphore(%run_scoped3A : memref<!tpu.dma_semaphore, #tpu.memory_space<semaphore_mem>>)
      %dma_wait3A_172 = arith.constant 8192 : i32
      %dma_wait3A_173 = tpu.memref_slice %arg10[%dma_wait3A_172] : memref<16384xf32, #tpu.memory_space<vmem>> -> memref<8192xf32, #tpu.memory_space<vmem>>
      %dma_wait3A_174 = arith.constant 0 : i32
      %dma_wait3A_175 = tpu.memref_slice %arg6[%add3A_161, %dma_wait3A_174] : memref<64x8192xf32, #tpu.memory_space<hbm>> -> memref<1x8192xf32, #tpu.memory_space<hbm>>
      %dma_wait3A_176 = tpu.memref_squeeze %dma_wait3A_175 : memref<1x8192xf32, #tpu.memory_space<hbm>> -> memref<8192xf32, #tpu.memory_space<hbm>>
      %dma_wait3A_177 = arith.constant 0 : i32
      %dma_wait3A_178 = tpu.memref_slice %arg6[%add3A_161, %dma_wait3A_177] : memref<64x8192xf32, #tpu.memory_space<hbm>> -> memref<1x8192xf32, #tpu.memory_space<hbm>>
      %dma_wait3A_179 = tpu.memref_squeeze %dma_wait3A_178 : memref<1x8192xf32, #tpu.memory_space<hbm>> -> memref<8192xf32, #tpu.memory_space<hbm>>
      %dma_wait3A_180 = arith.constant 8192 : i32
      %dma_wait3A_181 = tpu.memref_slice %arg10[%dma_wait3A_180] : memref<16384xf32, #tpu.memory_space<vmem>> -> memref<8192xf32, #tpu.memory_space<vmem>>
      tpu.wait_dma2 semaphore(%run_scoped3A : memref<!tpu.dma_semaphore, #tpu.memory_space<semaphore_mem>>) src(%dma_wait3A_181 : memref<8192xf32, #tpu.memory_space<vmem>>) dst(%dma_wait3A_179 : memref<8192xf32, #tpu.memory_space<hbm>>)
      tpu.yield
    }) : () -> ()
    return
  }
}

#map = affine_map<(d0, d1) -> (0, 0, 0)>
#map1 = affine_map<(d0, d1) -> (0, 0)>
module attributes {stable_mosaic.version = 14 : i64} {
  func.func @_sc_body(%arg0: i32, %arg1: i32, %arg2: memref<64x2048x256xf32, #tpu.memory_space<hbm>>, %arg3: memref<64x896xi32, #tpu.memory_space<hbm>>, %arg4: memref<128x256xf32, #tpu.memory_space<vmem>>, %arg5: memref<128x256xf32, #tpu.memory_space<vmem>>, %arg6: memref<1792xi32, #tpu.memory_space<vmem>>, %arg7: memref<!tpu.dma_semaphore, #tpu.memory_space<semaphore_mem>>, %arg8: memref<!tpu.dma_semaphore, #tpu.memory_space<semaphore_mem>>) attributes {dimension_semantics = [#tpu.dimension_semantics<core_parallel>, #tpu.dimension_semantics<subcore_parallel>], iteration_bounds = array<i64: 2, 16>, scalar_prefetch = 0 : i64, scratch_operands = 5 : i64, tpu.core_type = #tpu.core_type<sc_vector_subcore>, window_params = [{transform_indices = #map}, {transform_indices = #map1}]} {
    %mul3A = arith.constant 2 : i32
    %mul3A_0 = arith.muli %arg1, %mul3A : i32
    %add3A = arith.addi %mul3A_0, %arg0 : i32
    %mul3A_1 = arith.constant 2 : i32
    %mul3A_2 = arith.muli %add3A, %mul3A_1 : i32
    %iota3A = tpu.iota {dimensions = array<i32: 0>} : vector<16xi32>
    %broadcast_in_dim3A = arith.constant 0xFF800000 : f32
    %broadcast_in_dim3A_3 = vector.broadcast %broadcast_in_dim3A : f32 to vector<16xf32>
    %jit3A = arith.constant 0 : i32
    %jit3A_4 = arith.constant 7 : i32
    %div3A = arith.divsi %jit3A, %jit3A_4 : i32
    %sign3A = arith.constant 0 : i32
    %sign3A_5 = arith.cmpi sgt, %jit3A, %sign3A : i32
    %sign3A_6 = arith.extui %sign3A_5 : i1 to i32
    %sign3A_7 = arith.constant 0 : i32
    %sign3A_8 = arith.cmpi slt, %jit3A, %sign3A_7 : i32
    %sign3A_9 = arith.extui %sign3A_8 : i1 to i32
    %sign3A_10 = arith.subi %sign3A_6, %sign3A_9 : i32
    %sign3A_11 = arith.constant 0 : i32
    %sign3A_12 = arith.cmpi sgt, %jit3A_4, %sign3A_11 : i32
    %sign3A_13 = arith.extui %sign3A_12 : i1 to i32
    %sign3A_14 = arith.constant 0 : i32
    %sign3A_15 = arith.cmpi slt, %jit3A_4, %sign3A_14 : i32
    %sign3A_16 = arith.extui %sign3A_15 : i1 to i32
    %sign3A_17 = arith.subi %sign3A_13, %sign3A_16 : i32
    %ne3A = arith.cmpi ne, %sign3A_10, %sign3A_17 : i32
    %rem3A = arith.remsi %jit3A, %jit3A_4 : i32
    %ne3A_18 = arith.constant 0 : i32
    %ne3A_19 = arith.cmpi ne, %rem3A, %ne3A_18 : i32
    %and3A = arith.andi %ne3A, %ne3A_19 : i1
    %sub3A = arith.constant 1 : i32
    %sub3A_20 = arith.subi %div3A, %sub3A : i32
    %select_n3A = arith.select %and3A, %sub3A_20, %div3A : i32
    %add3A_21 = arith.addi %mul3A_2, %select_n3A : i32
    %jit3A_22 = arith.constant 0 : i32
    %jit3A_23 = arith.constant 7 : i32
    %eq3A = arith.constant 0 : i32
    %eq3A_24 = arith.cmpi eq, %jit3A_23, %eq3A : i32
    %jit3A_25 = arith.constant 1 : i32
    %select_n3A_26 = arith.select %eq3A_24, %jit3A_25, %jit3A_23 : i32
    %rem3A_27 = arith.remsi %jit3A_22, %select_n3A_26 : i32
    %ne3A_28 = arith.constant 0 : i32
    %ne3A_29 = arith.cmpi ne, %rem3A_27, %ne3A_28 : i32
    %lt3A = arith.constant 0 : i32
    %lt3A_30 = arith.cmpi slt, %rem3A_27, %lt3A : i32
    %lt3A_31 = arith.constant 0 : i32
    %lt3A_32 = arith.cmpi slt, %select_n3A_26, %lt3A_31 : i32
    %ne3A_33 = arith.xori %lt3A_30, %lt3A_32 : i1
    %and3A_34 = arith.andi %ne3A_33, %ne3A_29 : i1
    %add3A_35 = arith.addi %rem3A_27, %select_n3A_26 : i32
    %select_n3A_36 = arith.select %and3A_34, %add3A_35, %rem3A_27 : i32
    %mul3A_37 = arith.constant 128 : i32
    %mul3A_38 = arith.muli %select_n3A_36, %mul3A_37 : i32
    %dma_start3A = arith.constant 0 : i32
    %dma_start3A_39 = tpu.memref_slice %arg2[%add3A_21, %mul3A_38, %dma_start3A] : memref<64x2048x256xf32, #tpu.memory_space<hbm>> -> memref<1x128x256xf32, #tpu.memory_space<hbm>>
    %dma_start3A_40 = tpu.memref_squeeze %dma_start3A_39 : memref<1x128x256xf32, #tpu.memory_space<hbm>> -> memref<128x256xf32, #tpu.memory_space<hbm>>
    %dma_start3A_41 = arith.constant 0 : i32
    %dma_start3A_42 = tpu.memref_slice %arg2[%add3A_21, %mul3A_38, %dma_start3A_41] : memref<64x2048x256xf32, #tpu.memory_space<hbm>> -> memref<1x128x256xf32, #tpu.memory_space<hbm>>
    %dma_start3A_43 = tpu.memref_squeeze %dma_start3A_42 : memref<1x128x256xf32, #tpu.memory_space<hbm>> -> memref<128x256xf32, #tpu.memory_space<hbm>>
    tpu.enqueue_dma source(%dma_start3A_43 : memref<128x256xf32, #tpu.memory_space<hbm>>) target(%arg4 : memref<128x256xf32, #tpu.memory_space<vmem>>) target_semaphore(%arg7 : memref<!tpu.dma_semaphore, #tpu.memory_space<semaphore_mem>>)
    %jit3A_44 = arith.constant 1 : i32
    %jit3A_45 = arith.constant 7 : i32
    %div3A_46 = arith.divsi %jit3A_44, %jit3A_45 : i32
    %sign3A_47 = arith.constant 0 : i32
    %sign3A_48 = arith.cmpi sgt, %jit3A_44, %sign3A_47 : i32
    %sign3A_49 = arith.extui %sign3A_48 : i1 to i32
    %sign3A_50 = arith.constant 0 : i32
    %sign3A_51 = arith.cmpi slt, %jit3A_44, %sign3A_50 : i32
    %sign3A_52 = arith.extui %sign3A_51 : i1 to i32
    %sign3A_53 = arith.subi %sign3A_49, %sign3A_52 : i32
    %sign3A_54 = arith.constant 0 : i32
    %sign3A_55 = arith.cmpi sgt, %jit3A_45, %sign3A_54 : i32
    %sign3A_56 = arith.extui %sign3A_55 : i1 to i32
    %sign3A_57 = arith.constant 0 : i32
    %sign3A_58 = arith.cmpi slt, %jit3A_45, %sign3A_57 : i32
    %sign3A_59 = arith.extui %sign3A_58 : i1 to i32
    %sign3A_60 = arith.subi %sign3A_56, %sign3A_59 : i32
    %ne3A_61 = arith.cmpi ne, %sign3A_53, %sign3A_60 : i32
    %rem3A_62 = arith.remsi %jit3A_44, %jit3A_45 : i32
    %ne3A_63 = arith.constant 0 : i32
    %ne3A_64 = arith.cmpi ne, %rem3A_62, %ne3A_63 : i32
    %and3A_65 = arith.andi %ne3A_61, %ne3A_64 : i1
    %sub3A_66 = arith.constant 1 : i32
    %sub3A_67 = arith.subi %div3A_46, %sub3A_66 : i32
    %select_n3A_68 = arith.select %and3A_65, %sub3A_67, %div3A_46 : i32
    %add3A_69 = arith.addi %mul3A_2, %select_n3A_68 : i32
    %jit3A_70 = arith.constant 1 : i32
    %jit3A_71 = arith.constant 7 : i32
    %eq3A_72 = arith.constant 0 : i32
    %eq3A_73 = arith.cmpi eq, %jit3A_71, %eq3A_72 : i32
    %jit3A_74 = arith.constant 1 : i32
    %select_n3A_75 = arith.select %eq3A_73, %jit3A_74, %jit3A_71 : i32
    %rem3A_76 = arith.remsi %jit3A_70, %select_n3A_75 : i32
    %ne3A_77 = arith.constant 0 : i32
    %ne3A_78 = arith.cmpi ne, %rem3A_76, %ne3A_77 : i32
    %lt3A_79 = arith.constant 0 : i32
    %lt3A_80 = arith.cmpi slt, %rem3A_76, %lt3A_79 : i32
    %lt3A_81 = arith.constant 0 : i32
    %lt3A_82 = arith.cmpi slt, %select_n3A_75, %lt3A_81 : i32
    %ne3A_83 = arith.xori %lt3A_80, %lt3A_82 : i1
    %and3A_84 = arith.andi %ne3A_83, %ne3A_78 : i1
    %add3A_85 = arith.addi %rem3A_76, %select_n3A_75 : i32
    %select_n3A_86 = arith.select %and3A_84, %add3A_85, %rem3A_76 : i32
    %mul3A_87 = arith.constant 128 : i32
    %mul3A_88 = arith.muli %select_n3A_86, %mul3A_87 : i32
    %dma_start3A_89 = arith.constant 0 : i32
    %dma_start3A_90 = tpu.memref_slice %arg2[%add3A_69, %mul3A_88, %dma_start3A_89] : memref<64x2048x256xf32, #tpu.memory_space<hbm>> -> memref<1x128x256xf32, #tpu.memory_space<hbm>>
    %dma_start3A_91 = tpu.memref_squeeze %dma_start3A_90 : memref<1x128x256xf32, #tpu.memory_space<hbm>> -> memref<128x256xf32, #tpu.memory_space<hbm>>
    %dma_start3A_92 = arith.constant 0 : i32
    %dma_start3A_93 = tpu.memref_slice %arg2[%add3A_69, %mul3A_88, %dma_start3A_92] : memref<64x2048x256xf32, #tpu.memory_space<hbm>> -> memref<1x128x256xf32, #tpu.memory_space<hbm>>
    %dma_start3A_94 = tpu.memref_squeeze %dma_start3A_93 : memref<1x128x256xf32, #tpu.memory_space<hbm>> -> memref<128x256xf32, #tpu.memory_space<hbm>>
    tpu.enqueue_dma source(%dma_start3A_94 : memref<128x256xf32, #tpu.memory_space<hbm>>) target(%arg5 : memref<128x256xf32, #tpu.memory_space<vmem>>) target_semaphore(%arg8 : memref<!tpu.dma_semaphore, #tpu.memory_space<semaphore_mem>>)
    %scan3A = arith.constant 0 : i32
    %scan3A_95 = arith.constant 0 : i32
    %scan3A_96 = arith.constant 7 : i32
    %scan3A_97 = arith.addi %scan3A_95, %scan3A_96 : i32
    %scan3A_98 = arith.constant 1 : i32
    %scan3A_99 = scf.for %scan3A_105 = %scan3A_95 to %scan3A_97 step %scan3A_98 iter_args(%scan3A_106 = %scan3A) -> (i32)  : i32 {
      %mul3A_107 = arith.constant 2 : i32
      %mul3A_108 = arith.muli %scan3A_105, %mul3A_107 : i32
      %dma_wait3A = arith.constant 0 : i32
      %dma_wait3A_109 = arith.constant 0 : i32
      %dma_wait3A_110 = arith.constant 0 : i32
      %dma_wait3A_111 = tpu.memref_slice %arg2[%dma_wait3A, %dma_wait3A_109, %dma_wait3A_110] : memref<64x2048x256xf32, #tpu.memory_space<hbm>> -> memref<1x128x256xf32, #tpu.memory_space<hbm>>
      %dma_wait3A_112 = tpu.memref_squeeze %dma_wait3A_111 : memref<1x128x256xf32, #tpu.memory_space<hbm>> -> memref<128x256xf32, #tpu.memory_space<hbm>>
      %dma_wait3A_113 = arith.constant 0 : i32
      %dma_wait3A_114 = arith.constant 0 : i32
      %dma_wait3A_115 = tpu.memref_slice %arg2[%dma_wait3A, %dma_wait3A_113, %dma_wait3A_114] : memref<64x2048x256xf32, #tpu.memory_space<hbm>> -> memref<1x128x256xf32, #tpu.memory_space<hbm>>
      %dma_wait3A_116 = tpu.memref_squeeze %dma_wait3A_115 : memref<1x128x256xf32, #tpu.memory_space<hbm>> -> memref<128x256xf32, #tpu.memory_space<hbm>>
      tpu.wait_dma2 semaphore(%arg7 : memref<!tpu.dma_semaphore, #tpu.memory_space<semaphore_mem>>) src(%dma_wait3A_116 : memref<128x256xf32, #tpu.memory_space<hbm>>) dst(%arg4 : memref<128x256xf32, #tpu.memory_space<vmem>>)
      %scan3A_117 = arith.constant 0 : i32
      %scan3A_118 = arith.constant 0 : i32
      %scan3A_119 = arith.constant 8 : i32
      %scan3A_120 = arith.addi %scan3A_118, %scan3A_119 : i32
      %scan3A_121 = arith.constant 1 : i32
      %scan3A_122 = scf.for %scan3A_155 = %scan3A_118 to %scan3A_120 step %scan3A_121 iter_args(%scan3A_156 = %scan3A_117) -> (i32)  : i32 {
        %mul3A_157 = arith.constant 128 : i32
        %mul3A_158 = arith.muli %mul3A_108, %mul3A_157 : i32
        %mul3A_159 = arith.constant 16 : i32
        %mul3A_160 = arith.muli %scan3A_155, %mul3A_159 : i32
        %add3A_161 = arith.addi %mul3A_158, %mul3A_160 : i32
        %mul3A_162 = arith.constant 16 : i32
        %mul3A_163 = arith.muli %scan3A_155, %mul3A_162 : i32
        %add3A_164 = vector.broadcast %mul3A_163 : i32 to vector<16xi32>
        %add3A_165 = arith.addi %iota3A, %add3A_164 : vector<16xi32>
        %broadcast_in_dim3A_166 = arith.constant 0 : i32
        %broadcast_in_dim3A_167 = vector.broadcast %broadcast_in_dim3A_166 : i32 to vector<16xi32>
        %scan3A_168 = arith.constant 0 : i32
        %scan3A_169 = arith.constant 30 : i32
        %scan3A_170 = arith.addi %scan3A_168, %scan3A_169 : i32
        %scan3A_171 = arith.constant 1 : i32
        %scan3A_172:2 = scf.for %scan3A_260 = %scan3A_168 to %scan3A_170 step %scan3A_171 iter_args(%scan3A_261 = %broadcast_in_dim3A_3, %scan3A_262 = %broadcast_in_dim3A_167) -> (vector<16xf32>, vector<16xi32>)  : i32 {
          %mul3A_263 = arith.constant 8 : i32
          %mul3A_264 = arith.muli %scan3A_260, %mul3A_263 : i32
          %add3A_265 = vector.broadcast %mul3A_264 : i32 to vector<16xi32>
          %add3A_266 = arith.addi %iota3A, %add3A_265 : vector<16xi32>
          %gather3A_267 = tpu.vector_load_idx %arg4[%add3A_165, %add3A_266] : memref<128x256xf32, #tpu.memory_space<vmem>>[vector<16xi32>, vector<16xi32>], vector<16xf32>,
          %add3A_268 = arith.constant 1 : i32
          %add3A_269 = vector.broadcast %add3A_268 : i32 to vector<16xi32>
          %add3A_270 = arith.addi %add3A_266, %add3A_269 : vector<16xi32>
          %gather3A_271 = tpu.vector_load_idx %arg4[%add3A_165, %add3A_270] : memref<128x256xf32, #tpu.memory_space<vmem>>[vector<16xi32>, vector<16xi32>], vector<16xf32>,
          %add3A_272 = arith.constant 1 : i32
          %add3A_273 = vector.broadcast %add3A_272 : i32 to vector<16xi32>
          %add3A_274 = arith.addi %add3A_270, %add3A_273 : vector<16xi32>
          %gather3A_275 = tpu.vector_load_idx %arg4[%add3A_165, %add3A_274] : memref<128x256xf32, #tpu.memory_space<vmem>>[vector<16xi32>, vector<16xi32>], vector<16xf32>,
          %add3A_276 = arith.constant 1 : i32
          %add3A_277 = vector.broadcast %add3A_276 : i32 to vector<16xi32>
          %add3A_278 = arith.addi %add3A_274, %add3A_277 : vector<16xi32>
          %gather3A_279 = tpu.vector_load_idx %arg4[%add3A_165, %add3A_278] : memref<128x256xf32, #tpu.memory_space<vmem>>[vector<16xi32>, vector<16xi32>], vector<16xf32>,
          %add3A_280 = arith.constant 1 : i32
          %add3A_281 = vector.broadcast %add3A_280 : i32 to vector<16xi32>
          %add3A_282 = arith.addi %add3A_278, %add3A_281 : vector<16xi32>
          %gather3A_283 = tpu.vector_load_idx %arg4[%add3A_165, %add3A_282] : memref<128x256xf32, #tpu.memory_space<vmem>>[vector<16xi32>, vector<16xi32>], vector<16xf32>,
          %add3A_284 = arith.constant 1 : i32
          %add3A_285 = vector.broadcast %add3A_284 : i32 to vector<16xi32>
          %add3A_286 = arith.addi %add3A_282, %add3A_285 : vector<16xi32>
          %gather3A_287 = tpu.vector_load_idx %arg4[%add3A_165, %add3A_286] : memref<128x256xf32, #tpu.memory_space<vmem>>[vector<16xi32>, vector<16xi32>], vector<16xf32>,
          %add3A_288 = arith.constant 1 : i32
          %add3A_289 = vector.broadcast %add3A_288 : i32 to vector<16xi32>
          %add3A_290 = arith.addi %add3A_286, %add3A_289 : vector<16xi32>
          %gather3A_291 = tpu.vector_load_idx %arg4[%add3A_165, %add3A_290] : memref<128x256xf32, #tpu.memory_space<vmem>>[vector<16xi32>, vector<16xi32>], vector<16xf32>,
          %add3A_292 = arith.constant 1 : i32
          %add3A_293 = vector.broadcast %add3A_292 : i32 to vector<16xi32>
          %add3A_294 = arith.addi %add3A_290, %add3A_293 : vector<16xi32>
          %gather3A_295 = tpu.vector_load_idx %arg4[%add3A_165, %add3A_294] : memref<128x256xf32, #tpu.memory_space<vmem>>[vector<16xi32>, vector<16xi32>], vector<16xf32>,
          %max3A = arith.maximumf %gather3A_267, %gather3A_271 : vector<16xf32>
          %max3A_296 = arith.maximumf %gather3A_275, %gather3A_279 : vector<16xf32>
          %max3A_297 = arith.maximumf %gather3A_283, %gather3A_287 : vector<16xf32>
          %max3A_298 = arith.maximumf %gather3A_291, %gather3A_295 : vector<16xf32>
          %max3A_299 = arith.maximumf %max3A, %max3A_296 : vector<16xf32>
          %max3A_300 = arith.maximumf %max3A_297, %max3A_298 : vector<16xf32>
          %max3A_301 = arith.maximumf %max3A_299, %max3A_300 : vector<16xf32>
          %gt3A_302 = arith.cmpf ogt, %max3A_301, %scan3A_261 : vector<16xf32>
          %select_n3A_303 = arith.select %gt3A_302, %max3A_301, %scan3A_261 : vector<16xi1>, vector<16xf32>
          %broadcast_in_dim3A_304 = vector.broadcast %mul3A_264 : i32 to vector<16xi32>
          %select_n3A_305 = arith.select %gt3A_302, %broadcast_in_dim3A_304, %scan3A_262 : vector<16xi1>, vector<16xi32>
          scf.yield %select_n3A_303, %select_n3A_305 : vector<16xf32>, vector<16xi32>
        }
        %scan3A_173 = arith.constant 30 : i32
        %add3A_174 = arith.addi %scan3A_172#1, %iota3A : vector<16xi32>
        %gather3A = tpu.vector_load_idx %arg4[%add3A_165, %add3A_174] : memref<128x256xf32, #tpu.memory_space<vmem>>[vector<16xi32>, vector<16xi32>], vector<16xf32>,
        %eq3A_175 = arith.cmpf oeq, %gather3A, %scan3A_172#0 : vector<16xf32>
        %add3A_176 = arith.constant 1 : i32
        %add3A_177 = vector.broadcast %add3A_176 : i32 to vector<16xi32>
        %add3A_178 = arith.addi %add3A_174, %add3A_177 : vector<16xi32>
        %gather3A_179 = tpu.vector_load_idx %arg4[%add3A_165, %add3A_178] : memref<128x256xf32, #tpu.memory_space<vmem>>[vector<16xi32>, vector<16xi32>], vector<16xf32>,
        %eq3A_180 = arith.cmpf oeq, %gather3A_179, %scan3A_172#0 : vector<16xf32>
        %not3A = arith.constant dense<true> : vector<16xi1>
        %not3A_181 = arith.xori %eq3A_175, %not3A : vector<16xi1>
        %and3A_182 = arith.andi %eq3A_180, %not3A_181 : vector<16xi1>
        %select_n3A_183 = arith.select %and3A_182, %add3A_178, %add3A_174 : vector<16xi1>, vector<16xi32>
        %or3A = arith.ori %eq3A_175, %and3A_182 : vector<16xi1>
        %add3A_184 = arith.constant 1 : i32
        %add3A_185 = vector.broadcast %add3A_184 : i32 to vector<16xi32>
        %add3A_186 = arith.addi %add3A_178, %add3A_185 : vector<16xi32>
        %gather3A_187 = tpu.vector_load_idx %arg4[%add3A_165, %add3A_186] : memref<128x256xf32, #tpu.memory_space<vmem>>[vector<16xi32>, vector<16xi32>], vector<16xf32>,
        %eq3A_188 = arith.cmpf oeq, %gather3A_187, %scan3A_172#0 : vector<16xf32>
        %not3A_189 = arith.constant dense<true> : vector<16xi1>
        %not3A_190 = arith.xori %or3A, %not3A_189 : vector<16xi1>
        %and3A_191 = arith.andi %eq3A_188, %not3A_190 : vector<16xi1>
        %select_n3A_192 = arith.select %and3A_191, %add3A_186, %select_n3A_183 : vector<16xi1>, vector<16xi32>
        %or3A_193 = arith.ori %or3A, %and3A_191 : vector<16xi1>
        %add3A_194 = arith.constant 1 : i32
        %add3A_195 = vector.broadcast %add3A_194 : i32 to vector<16xi32>
        %add3A_196 = arith.addi %add3A_186, %add3A_195 : vector<16xi32>
        %gather3A_197 = tpu.vector_load_idx %arg4[%add3A_165, %add3A_196] : memref<128x256xf32, #tpu.memory_space<vmem>>[vector<16xi32>, vector<16xi32>], vector<16xf32>,
        %eq3A_198 = arith.cmpf oeq, %gather3A_197, %scan3A_172#0 : vector<16xf32>
        %not3A_199 = arith.constant dense<true> : vector<16xi1>
        %not3A_200 = arith.xori %or3A_193, %not3A_199 : vector<16xi1>
        %and3A_201 = arith.andi %eq3A_198, %not3A_200 : vector<16xi1>
        %select_n3A_202 = arith.select %and3A_201, %add3A_196, %select_n3A_192 : vector<16xi1>, vector<16xi32>
        %or3A_203 = arith.ori %or3A_193, %and3A_201 : vector<16xi1>
        %add3A_204 = arith.constant 1 : i32
        %add3A_205 = vector.broadcast %add3A_204 : i32 to vector<16xi32>
        %add3A_206 = arith.addi %add3A_196, %add3A_205 : vector<16xi32>
        %gather3A_207 = tpu.vector_load_idx %arg4[%add3A_165, %add3A_206] : memref<128x256xf32, #tpu.memory_space<vmem>>[vector<16xi32>, vector<16xi32>], vector<16xf32>,
        %eq3A_208 = arith.cmpf oeq, %gather3A_207, %scan3A_172#0 : vector<16xf32>
        %not3A_209 = arith.constant dense<true> : vector<16xi1>
        %not3A_210 = arith.xori %or3A_203, %not3A_209 : vector<16xi1>
        %and3A_211 = arith.andi %eq3A_208, %not3A_210 : vector<16xi1>
        %select_n3A_212 = arith.select %and3A_211, %add3A_206, %select_n3A_202 : vector<16xi1>, vector<16xi32>
        %or3A_213 = arith.ori %or3A_203, %and3A_211 : vector<16xi1>
        %add3A_214 = arith.constant 1 : i32
        %add3A_215 = vector.broadcast %add3A_214 : i32 to vector<16xi32>
        %add3A_216 = arith.addi %add3A_206, %add3A_215 : vector<16xi32>
        %gather3A_217 = tpu.vector_load_idx %arg4[%add3A_165, %add3A_216] : memref<128x256xf32, #tpu.memory_space<vmem>>[vector<16xi32>, vector<16xi32>], vector<16xf32>,
        %eq3A_218 = arith.cmpf oeq, %gather3A_217, %scan3A_172#0 : vector<16xf32>
        %not3A_219 = arith.constant dense<true> : vector<16xi1>
        %not3A_220 = arith.xori %or3A_213, %not3A_219 : vector<16xi1>
        %and3A_221 = arith.andi %eq3A_218, %not3A_220 : vector<16xi1>
        %select_n3A_222 = arith.select %and3A_221, %add3A_216, %select_n3A_212 : vector<16xi1>, vector<16xi32>
        %or3A_223 = arith.ori %or3A_213, %and3A_221 : vector<16xi1>
        %add3A_224 = arith.constant 1 : i32
        %add3A_225 = vector.broadcast %add3A_224 : i32 to vector<16xi32>
        %add3A_226 = arith.addi %add3A_216, %add3A_225 : vector<16xi32>
        %gather3A_227 = tpu.vector_load_idx %arg4[%add3A_165, %add3A_226] : memref<128x256xf32, #tpu.memory_space<vmem>>[vector<16xi32>, vector<16xi32>], vector<16xf32>,
        %eq3A_228 = arith.cmpf oeq, %gather3A_227, %scan3A_172#0 : vector<16xf32>
        %not3A_229 = arith.constant dense<true> : vector<16xi1>
        %not3A_230 = arith.xori %or3A_223, %not3A_229 : vector<16xi1>
        %and3A_231 = arith.andi %eq3A_228, %not3A_230 : vector<16xi1>
        %select_n3A_232 = arith.select %and3A_231, %add3A_226, %select_n3A_222 : vector<16xi1>, vector<16xi32>
        %or3A_233 = arith.ori %or3A_223, %and3A_231 : vector<16xi1>
        %add3A_234 = arith.constant 1 : i32
        %add3A_235 = vector.broadcast %add3A_234 : i32 to vector<16xi32>
        %add3A_236 = arith.addi %add3A_226, %add3A_235 : vector<16xi32>
        %gather3A_237 = tpu.vector_load_idx %arg4[%add3A_165, %add3A_236] : memref<128x256xf32, #tpu.memory_space<vmem>>[vector<16xi32>, vector<16xi32>], vector<16xf32>,
        %eq3A_238 = arith.cmpf oeq, %gather3A_237, %scan3A_172#0 : vector<16xf32>
        %not3A_239 = arith.constant dense<true> : vector<16xi1>
        %not3A_240 = arith.xori %or3A_233, %not3A_239 : vector<16xi1>
        %and3A_241 = arith.andi %eq3A_238, %not3A_240 : vector<16xi1>
        %select_n3A_242 = arith.select %and3A_241, %add3A_236, %select_n3A_232 : vector<16xi1>, vector<16xi32>
        %or3A_243 = arith.ori %or3A_233, %and3A_241 : vector<16xi1>
        %add3A_244 = arith.constant 239 : i32
        %add3A_245 = vector.broadcast %add3A_244 : i32 to vector<16xi32>
        %add3A_246 = arith.addi %iota3A, %add3A_245 : vector<16xi32>
        %scan3A_247 = arith.constant 240 : i32
        %scan3A_248 = arith.constant 16 : i32
        %scan3A_249 = arith.addi %scan3A_247, %scan3A_248 : i32
        %scan3A_250 = arith.constant 1 : i32
        %scan3A_251:3 = scf.for %scan3A_260 = %scan3A_247 to %scan3A_249 step %scan3A_250 iter_args(%scan3A_261 = %scan3A_172#0, %scan3A_262 = %select_n3A_242, %scan3A_263 = %add3A_246) -> (vector<16xf32>, vector<16xi32>, vector<16xi32>)  : i32 {
          %add3A_264 = arith.constant 1 : i32
          %add3A_265 = vector.broadcast %add3A_264 : i32 to vector<16xi32>
          %add3A_266 = arith.addi %scan3A_263, %add3A_265 : vector<16xi32>
          %and3A_267 = arith.constant 255 : i32
          %and3A_268 = vector.broadcast %and3A_267 : i32 to vector<16xi32>
          %and3A_269 = arith.andi %add3A_266, %and3A_268 : vector<16xi32>
          %gather3A_270 = tpu.vector_load_idx %arg4[%add3A_165, %and3A_269] : memref<128x256xf32, #tpu.memory_space<vmem>>[vector<16xi32>, vector<16xi32>], vector<16xf32>,
          %gt3A_271 = arith.cmpf ogt, %gather3A_270, %scan3A_261 : vector<16xf32>
          %select_n3A_272 = arith.select %gt3A_271, %gather3A_270, %scan3A_261 : vector<16xi1>, vector<16xf32>
          %select_n3A_273 = arith.select %gt3A_271, %and3A_269, %scan3A_262 : vector<16xi1>, vector<16xi32>
          scf.yield %select_n3A_272, %select_n3A_273, %and3A_269 : vector<16xf32>, vector<16xi32>, vector<16xi32>
        }
        %scan3A_252 = arith.constant 16 : i32
        %gt3A = arith.constant 0.000000e+00 : f32
        %gt3A_253 = vector.broadcast %gt3A : f32 to vector<16xf32>
        %gt3A_254 = arith.cmpf ogt, %scan3A_251#0, %gt3A_253 : vector<16xf32>
        %jit3A_255 = arith.constant -1 : i32
        %broadcast_in_dim3A_256 = vector.broadcast %jit3A_255 : i32 to vector<16xi32>
        %select_n3A_257 = arith.select %gt3A_254, %scan3A_251#1, %broadcast_in_dim3A_256 : vector<16xi1>, vector<16xi32>
        %swap3A = arith.index_cast %add3A_161 : i32 to index
        %swap3A_258 = tpu.vector_load %arg6[%swap3A] {strides = array<i32>} : memref<1792xi32, #tpu.memory_space<vmem>>, vector<16xi32>,
        tpu.vector_store %arg6[%swap3A], %select_n3A_257 {strides = array<i32>} : memref<1792xi32, #tpu.memory_space<vmem>>, vector<16xi32>,
        %scan3A_259 = arith.constant 0 : i32
        scf.yield %scan3A_259 : i32
      }
      %scan3A_123 = arith.constant 8 : i32
      %add3A_124 = arith.constant 2 : i32
      %add3A_125 = arith.addi %mul3A_108, %add3A_124 : i32
      %lt3A_126 = arith.constant 14 : i32
      %lt3A_127 = arith.cmpi slt, %add3A_125, %lt3A_126 : i32
      %convert_element_type3A = arith.extui %lt3A_127 : i1 to i32
      %cond3A = arith.constant 0 : i32
      %cond3A_128 = arith.cmpi ne, %convert_element_type3A, %cond3A : i32
      scf.if %cond3A_128 {
        %add3A_155 = arith.constant 2 : i32
        %add3A_156 = arith.addi %mul3A_108, %add3A_155 : i32
        %jit3A_157 = arith.constant 7 : i32
        %div3A_158 = arith.divsi %add3A_156, %jit3A_157 : i32
        %sign3A_159 = arith.constant 0 : i32
        %sign3A_160 = arith.cmpi sgt, %add3A_156, %sign3A_159 : i32
        %sign3A_161 = arith.extui %sign3A_160 : i1 to i32
        %sign3A_162 = arith.constant 0 : i32
        %sign3A_163 = arith.cmpi slt, %add3A_156, %sign3A_162 : i32
        %sign3A_164 = arith.extui %sign3A_163 : i1 to i32
        %sign3A_165 = arith.subi %sign3A_161, %sign3A_164 : i32
        %sign3A_166 = arith.constant 0 : i32
        %sign3A_167 = arith.cmpi sgt, %jit3A_157, %sign3A_166 : i32
        %sign3A_168 = arith.extui %sign3A_167 : i1 to i32
        %sign3A_169 = arith.constant 0 : i32
        %sign3A_170 = arith.cmpi slt, %jit3A_157, %sign3A_169 : i32
        %sign3A_171 = arith.extui %sign3A_170 : i1 to i32
        %sign3A_172 = arith.subi %sign3A_168, %sign3A_171 : i32
        %ne3A_173 = arith.cmpi ne, %sign3A_165, %sign3A_172 : i32
        %rem3A_174 = arith.remsi %add3A_156, %jit3A_157 : i32
        %ne3A_175 = arith.constant 0 : i32
        %ne3A_176 = arith.cmpi ne, %rem3A_174, %ne3A_175 : i32
        %and3A_177 = arith.andi %ne3A_173, %ne3A_176 : i1
        %sub3A_178 = arith.constant 1 : i32
        %sub3A_179 = arith.subi %div3A_158, %sub3A_178 : i32
        %select_n3A_180 = arith.select %and3A_177, %sub3A_179, %div3A_158 : i32
        %add3A_181 = arith.addi %mul3A_2, %select_n3A_180 : i32
        %jit3A_182 = arith.constant 7 : i32
        %eq3A_183 = arith.constant 0 : i32
        %eq3A_184 = arith.cmpi eq, %jit3A_182, %eq3A_183 : i32
        %jit3A_185 = arith.constant 1 : i32
        %select_n3A_186 = arith.select %eq3A_184, %jit3A_185, %jit3A_182 : i32
        %rem3A_187 = arith.remsi %add3A_156, %select_n3A_186 : i32
        %ne3A_188 = arith.constant 0 : i32
        %ne3A_189 = arith.cmpi ne, %rem3A_187, %ne3A_188 : i32
        %lt3A_190 = arith.constant 0 : i32
        %lt3A_191 = arith.cmpi slt, %rem3A_187, %lt3A_190 : i32
        %lt3A_192 = arith.constant 0 : i32
        %lt3A_193 = arith.cmpi slt, %select_n3A_186, %lt3A_192 : i32
        %ne3A_194 = arith.xori %lt3A_191, %lt3A_193 : i1
        %and3A_195 = arith.andi %ne3A_194, %ne3A_189 : i1
        %add3A_196 = arith.addi %rem3A_187, %select_n3A_186 : i32
        %select_n3A_197 = arith.select %and3A_195, %add3A_196, %rem3A_187 : i32
        %mul3A_198 = arith.constant 128 : i32
        %mul3A_199 = arith.muli %select_n3A_197, %mul3A_198 : i32
        %dma_start3A_200 = arith.constant 0 : i32
        %dma_start3A_201 = tpu.memref_slice %arg2[%add3A_181, %mul3A_199, %dma_start3A_200] : memref<64x2048x256xf32, #tpu.memory_space<hbm>> -> memref<1x128x256xf32, #tpu.memory_space<hbm>>
        %dma_start3A_202 = tpu.memref_squeeze %dma_start3A_201 : memref<1x128x256xf32, #tpu.memory_space<hbm>> -> memref<128x256xf32, #tpu.memory_space<hbm>>
        %dma_start3A_203 = arith.constant 0 : i32
        %dma_start3A_204 = tpu.memref_slice %arg2[%add3A_181, %mul3A_199, %dma_start3A_203] : memref<64x2048x256xf32, #tpu.memory_space<hbm>> -> memref<1x128x256xf32, #tpu.memory_space<hbm>>
        %dma_start3A_205 = tpu.memref_squeeze %dma_start3A_204 : memref<1x128x256xf32, #tpu.memory_space<hbm>> -> memref<128x256xf32, #tpu.memory_space<hbm>>
        tpu.enqueue_dma source(%dma_start3A_205 : memref<128x256xf32, #tpu.memory_space<hbm>>) target(%arg4 : memref<128x256xf32, #tpu.memory_space<vmem>>) target_semaphore(%arg7 : memref<!tpu.dma_semaphore, #tpu.memory_space<semaphore_mem>>)
      } else {
      }
      %add3A_129 = arith.constant 1 : i32
      %add3A_130 = arith.addi %mul3A_108, %add3A_129 : i32
      %dma_wait3A_131 = arith.constant 0 : i32
      %dma_wait3A_132 = arith.constant 0 : i32
      %dma_wait3A_133 = arith.constant 0 : i32
      %dma_wait3A_134 = tpu.memref_slice %arg2[%dma_wait3A_131, %dma_wait3A_132, %dma_wait3A_133] : memref<64x2048x256xf32, #tpu.memory_space<hbm>> -> memref<1x128x256xf32, #tpu.memory_space<hbm>>
      %dma_wait3A_135 = tpu.memref_squeeze %dma_wait3A_134 : memref<1x128x256xf32, #tpu.memory_space<hbm>> -> memref<128x256xf32, #tpu.memory_space<hbm>>
      %dma_wait3A_136 = arith.constant 0 : i32
      %dma_wait3A_137 = arith.constant 0 : i32
      %dma_wait3A_138 = tpu.memref_slice %arg2[%dma_wait3A_131, %dma_wait3A_136, %dma_wait3A_137] : memref<64x2048x256xf32, #tpu.memory_space<hbm>> -> memref<1x128x256xf32, #tpu.memory_space<hbm>>
      %dma_wait3A_139 = tpu.memref_squeeze %dma_wait3A_138 : memref<1x128x256xf32, #tpu.memory_space<hbm>> -> memref<128x256xf32, #tpu.memory_space<hbm>>
      tpu.wait_dma2 semaphore(%arg8 : memref<!tpu.dma_semaphore, #tpu.memory_space<semaphore_mem>>) src(%dma_wait3A_139 : memref<128x256xf32, #tpu.memory_space<hbm>>) dst(%arg5 : memref<128x256xf32, #tpu.memory_space<vmem>>)
      %scan3A_140 = arith.constant 0 : i32
      %scan3A_141 = arith.constant 0 : i32
      %scan3A_142 = arith.constant 8 : i32
      %scan3A_143 = arith.addi %scan3A_141, %scan3A_142 : i32
      %scan3A_144 = arith.constant 1 : i32
      %scan3A_145 = scf.for %scan3A_155 = %scan3A_141 to %scan3A_143 step %scan3A_144 iter_args(%scan3A_156 = %scan3A_140) -> (i32)  : i32 {
        %mul3A_157 = arith.constant 128 : i32
        %mul3A_158 = arith.muli %add3A_130, %mul3A_157 : i32
        %mul3A_159 = arith.constant 16 : i32
        %mul3A_160 = arith.muli %scan3A_155, %mul3A_159 : i32
        %add3A_161 = arith.addi %mul3A_158, %mul3A_160 : i32
        %mul3A_162 = arith.constant 16 : i32
        %mul3A_163 = arith.muli %scan3A_155, %mul3A_162 : i32
        %add3A_164 = vector.broadcast %mul3A_163 : i32 to vector<16xi32>
        %add3A_165 = arith.addi %iota3A, %add3A_164 : vector<16xi32>
        %broadcast_in_dim3A_166 = arith.constant 0 : i32
        %broadcast_in_dim3A_167 = vector.broadcast %broadcast_in_dim3A_166 : i32 to vector<16xi32>
        %scan3A_168 = arith.constant 0 : i32
        %scan3A_169 = arith.constant 30 : i32
        %scan3A_170 = arith.addi %scan3A_168, %scan3A_169 : i32
        %scan3A_171 = arith.constant 1 : i32
        %scan3A_172:2 = scf.for %scan3A_260 = %scan3A_168 to %scan3A_170 step %scan3A_171 iter_args(%scan3A_261 = %broadcast_in_dim3A_3, %scan3A_262 = %broadcast_in_dim3A_167) -> (vector<16xf32>, vector<16xi32>)  : i32 {
          %mul3A_263 = arith.constant 8 : i32
          %mul3A_264 = arith.muli %scan3A_260, %mul3A_263 : i32
          %add3A_265 = vector.broadcast %mul3A_264 : i32 to vector<16xi32>
          %add3A_266 = arith.addi %iota3A, %add3A_265 : vector<16xi32>
          %gather3A_267 = tpu.vector_load_idx %arg5[%add3A_165, %add3A_266] : memref<128x256xf32, #tpu.memory_space<vmem>>[vector<16xi32>, vector<16xi32>], vector<16xf32>,
          %add3A_268 = arith.constant 1 : i32
          %add3A_269 = vector.broadcast %add3A_268 : i32 to vector<16xi32>
          %add3A_270 = arith.addi %add3A_266, %add3A_269 : vector<16xi32>
          %gather3A_271 = tpu.vector_load_idx %arg5[%add3A_165, %add3A_270] : memref<128x256xf32, #tpu.memory_space<vmem>>[vector<16xi32>, vector<16xi32>], vector<16xf32>,
          %add3A_272 = arith.constant 1 : i32
          %add3A_273 = vector.broadcast %add3A_272 : i32 to vector<16xi32>
          %add3A_274 = arith.addi %add3A_270, %add3A_273 : vector<16xi32>
          %gather3A_275 = tpu.vector_load_idx %arg5[%add3A_165, %add3A_274] : memref<128x256xf32, #tpu.memory_space<vmem>>[vector<16xi32>, vector<16xi32>], vector<16xf32>,
          %add3A_276 = arith.constant 1 : i32
          %add3A_277 = vector.broadcast %add3A_276 : i32 to vector<16xi32>
          %add3A_278 = arith.addi %add3A_274, %add3A_277 : vector<16xi32>
          %gather3A_279 = tpu.vector_load_idx %arg5[%add3A_165, %add3A_278] : memref<128x256xf32, #tpu.memory_space<vmem>>[vector<16xi32>, vector<16xi32>], vector<16xf32>,
          %add3A_280 = arith.constant 1 : i32
          %add3A_281 = vector.broadcast %add3A_280 : i32 to vector<16xi32>
          %add3A_282 = arith.addi %add3A_278, %add3A_281 : vector<16xi32>
          %gather3A_283 = tpu.vector_load_idx %arg5[%add3A_165, %add3A_282] : memref<128x256xf32, #tpu.memory_space<vmem>>[vector<16xi32>, vector<16xi32>], vector<16xf32>,
          %add3A_284 = arith.constant 1 : i32
          %add3A_285 = vector.broadcast %add3A_284 : i32 to vector<16xi32>
          %add3A_286 = arith.addi %add3A_282, %add3A_285 : vector<16xi32>
          %gather3A_287 = tpu.vector_load_idx %arg5[%add3A_165, %add3A_286] : memref<128x256xf32, #tpu.memory_space<vmem>>[vector<16xi32>, vector<16xi32>], vector<16xf32>,
          %add3A_288 = arith.constant 1 : i32
          %add3A_289 = vector.broadcast %add3A_288 : i32 to vector<16xi32>
          %add3A_290 = arith.addi %add3A_286, %add3A_289 : vector<16xi32>
          %gather3A_291 = tpu.vector_load_idx %arg5[%add3A_165, %add3A_290] : memref<128x256xf32, #tpu.memory_space<vmem>>[vector<16xi32>, vector<16xi32>], vector<16xf32>,
          %add3A_292 = arith.constant 1 : i32
          %add3A_293 = vector.broadcast %add3A_292 : i32 to vector<16xi32>
          %add3A_294 = arith.addi %add3A_290, %add3A_293 : vector<16xi32>
          %gather3A_295 = tpu.vector_load_idx %arg5[%add3A_165, %add3A_294] : memref<128x256xf32, #tpu.memory_space<vmem>>[vector<16xi32>, vector<16xi32>], vector<16xf32>,
          %max3A = arith.maximumf %gather3A_267, %gather3A_271 : vector<16xf32>
          %max3A_296 = arith.maximumf %gather3A_275, %gather3A_279 : vector<16xf32>
          %max3A_297 = arith.maximumf %gather3A_283, %gather3A_287 : vector<16xf32>
          %max3A_298 = arith.maximumf %gather3A_291, %gather3A_295 : vector<16xf32>
          %max3A_299 = arith.maximumf %max3A, %max3A_296 : vector<16xf32>
          %max3A_300 = arith.maximumf %max3A_297, %max3A_298 : vector<16xf32>
          %max3A_301 = arith.maximumf %max3A_299, %max3A_300 : vector<16xf32>
          %gt3A_302 = arith.cmpf ogt, %max3A_301, %scan3A_261 : vector<16xf32>
          %select_n3A_303 = arith.select %gt3A_302, %max3A_301, %scan3A_261 : vector<16xi1>, vector<16xf32>
          %broadcast_in_dim3A_304 = vector.broadcast %mul3A_264 : i32 to vector<16xi32>
          %select_n3A_305 = arith.select %gt3A_302, %broadcast_in_dim3A_304, %scan3A_262 : vector<16xi1>, vector<16xi32>
          scf.yield %select_n3A_303, %select_n3A_305 : vector<16xf32>, vector<16xi32>
        }
        %scan3A_173 = arith.constant 30 : i32
        %add3A_174 = arith.addi %scan3A_172#1, %iota3A : vector<16xi32>
        %gather3A = tpu.vector_load_idx %arg5[%add3A_165, %add3A_174] : memref<128x256xf32, #tpu.memory_space<vmem>>[vector<16xi32>, vector<16xi32>], vector<16xf32>,
        %eq3A_175 = arith.cmpf oeq, %gather3A, %scan3A_172#0 : vector<16xf32>
        %add3A_176 = arith.constant 1 : i32
        %add3A_177 = vector.broadcast %add3A_176 : i32 to vector<16xi32>
        %add3A_178 = arith.addi %add3A_174, %add3A_177 : vector<16xi32>
        %gather3A_179 = tpu.vector_load_idx %arg5[%add3A_165, %add3A_178] : memref<128x256xf32, #tpu.memory_space<vmem>>[vector<16xi32>, vector<16xi32>], vector<16xf32>,
        %eq3A_180 = arith.cmpf oeq, %gather3A_179, %scan3A_172#0 : vector<16xf32>
        %not3A = arith.constant dense<true> : vector<16xi1>
        %not3A_181 = arith.xori %eq3A_175, %not3A : vector<16xi1>
        %and3A_182 = arith.andi %eq3A_180, %not3A_181 : vector<16xi1>
        %select_n3A_183 = arith.select %and3A_182, %add3A_178, %add3A_174 : vector<16xi1>, vector<16xi32>
        %or3A = arith.ori %eq3A_175, %and3A_182 : vector<16xi1>
        %add3A_184 = arith.constant 1 : i32
        %add3A_185 = vector.broadcast %add3A_184 : i32 to vector<16xi32>
        %add3A_186 = arith.addi %add3A_178, %add3A_185 : vector<16xi32>
        %gather3A_187 = tpu.vector_load_idx %arg5[%add3A_165, %add3A_186] : memref<128x256xf32, #tpu.memory_space<vmem>>[vector<16xi32>, vector<16xi32>], vector<16xf32>,
        %eq3A_188 = arith.cmpf oeq, %gather3A_187, %scan3A_172#0 : vector<16xf32>
        %not3A_189 = arith.constant dense<true> : vector<16xi1>
        %not3A_190 = arith.xori %or3A, %not3A_189 : vector<16xi1>
        %and3A_191 = arith.andi %eq3A_188, %not3A_190 : vector<16xi1>
        %select_n3A_192 = arith.select %and3A_191, %add3A_186, %select_n3A_183 : vector<16xi1>, vector<16xi32>
        %or3A_193 = arith.ori %or3A, %and3A_191 : vector<16xi1>
        %add3A_194 = arith.constant 1 : i32
        %add3A_195 = vector.broadcast %add3A_194 : i32 to vector<16xi32>
        %add3A_196 = arith.addi %add3A_186, %add3A_195 : vector<16xi32>
        %gather3A_197 = tpu.vector_load_idx %arg5[%add3A_165, %add3A_196] : memref<128x256xf32, #tpu.memory_space<vmem>>[vector<16xi32>, vector<16xi32>], vector<16xf32>,
        %eq3A_198 = arith.cmpf oeq, %gather3A_197, %scan3A_172#0 : vector<16xf32>
        %not3A_199 = arith.constant dense<true> : vector<16xi1>
        %not3A_200 = arith.xori %or3A_193, %not3A_199 : vector<16xi1>
        %and3A_201 = arith.andi %eq3A_198, %not3A_200 : vector<16xi1>
        %select_n3A_202 = arith.select %and3A_201, %add3A_196, %select_n3A_192 : vector<16xi1>, vector<16xi32>
        %or3A_203 = arith.ori %or3A_193, %and3A_201 : vector<16xi1>
        %add3A_204 = arith.constant 1 : i32
        %add3A_205 = vector.broadcast %add3A_204 : i32 to vector<16xi32>
        %add3A_206 = arith.addi %add3A_196, %add3A_205 : vector<16xi32>
        %gather3A_207 = tpu.vector_load_idx %arg5[%add3A_165, %add3A_206] : memref<128x256xf32, #tpu.memory_space<vmem>>[vector<16xi32>, vector<16xi32>], vector<16xf32>,
        %eq3A_208 = arith.cmpf oeq, %gather3A_207, %scan3A_172#0 : vector<16xf32>
        %not3A_209 = arith.constant dense<true> : vector<16xi1>
        %not3A_210 = arith.xori %or3A_203, %not3A_209 : vector<16xi1>
        %and3A_211 = arith.andi %eq3A_208, %not3A_210 : vector<16xi1>
        %select_n3A_212 = arith.select %and3A_211, %add3A_206, %select_n3A_202 : vector<16xi1>, vector<16xi32>
        %or3A_213 = arith.ori %or3A_203, %and3A_211 : vector<16xi1>
        %add3A_214 = arith.constant 1 : i32
        %add3A_215 = vector.broadcast %add3A_214 : i32 to vector<16xi32>
        %add3A_216 = arith.addi %add3A_206, %add3A_215 : vector<16xi32>
        %gather3A_217 = tpu.vector_load_idx %arg5[%add3A_165, %add3A_216] : memref<128x256xf32, #tpu.memory_space<vmem>>[vector<16xi32>, vector<16xi32>], vector<16xf32>,
        %eq3A_218 = arith.cmpf oeq, %gather3A_217, %scan3A_172#0 : vector<16xf32>
        %not3A_219 = arith.constant dense<true> : vector<16xi1>
        %not3A_220 = arith.xori %or3A_213, %not3A_219 : vector<16xi1>
        %and3A_221 = arith.andi %eq3A_218, %not3A_220 : vector<16xi1>
        %select_n3A_222 = arith.select %and3A_221, %add3A_216, %select_n3A_212 : vector<16xi1>, vector<16xi32>
        %or3A_223 = arith.ori %or3A_213, %and3A_221 : vector<16xi1>
        %add3A_224 = arith.constant 1 : i32
        %add3A_225 = vector.broadcast %add3A_224 : i32 to vector<16xi32>
        %add3A_226 = arith.addi %add3A_216, %add3A_225 : vector<16xi32>
        %gather3A_227 = tpu.vector_load_idx %arg5[%add3A_165, %add3A_226] : memref<128x256xf32, #tpu.memory_space<vmem>>[vector<16xi32>, vector<16xi32>], vector<16xf32>,
        %eq3A_228 = arith.cmpf oeq, %gather3A_227, %scan3A_172#0 : vector<16xf32>
        %not3A_229 = arith.constant dense<true> : vector<16xi1>
        %not3A_230 = arith.xori %or3A_223, %not3A_229 : vector<16xi1>
        %and3A_231 = arith.andi %eq3A_228, %not3A_230 : vector<16xi1>
        %select_n3A_232 = arith.select %and3A_231, %add3A_226, %select_n3A_222 : vector<16xi1>, vector<16xi32>
        %or3A_233 = arith.ori %or3A_223, %and3A_231 : vector<16xi1>
        %add3A_234 = arith.constant 1 : i32
        %add3A_235 = vector.broadcast %add3A_234 : i32 to vector<16xi32>
        %add3A_236 = arith.addi %add3A_226, %add3A_235 : vector<16xi32>
        %gather3A_237 = tpu.vector_load_idx %arg5[%add3A_165, %add3A_236] : memref<128x256xf32, #tpu.memory_space<vmem>>[vector<16xi32>, vector<16xi32>], vector<16xf32>,
        %eq3A_238 = arith.cmpf oeq, %gather3A_237, %scan3A_172#0 : vector<16xf32>
        %not3A_239 = arith.constant dense<true> : vector<16xi1>
        %not3A_240 = arith.xori %or3A_233, %not3A_239 : vector<16xi1>
        %and3A_241 = arith.andi %eq3A_238, %not3A_240 : vector<16xi1>
        %select_n3A_242 = arith.select %and3A_241, %add3A_236, %select_n3A_232 : vector<16xi1>, vector<16xi32>
        %or3A_243 = arith.ori %or3A_233, %and3A_241 : vector<16xi1>
        %add3A_244 = arith.constant 239 : i32
        %add3A_245 = vector.broadcast %add3A_244 : i32 to vector<16xi32>
        %add3A_246 = arith.addi %iota3A, %add3A_245 : vector<16xi32>
        %scan3A_247 = arith.constant 240 : i32
        %scan3A_248 = arith.constant 16 : i32
        %scan3A_249 = arith.addi %scan3A_247, %scan3A_248 : i32
        %scan3A_250 = arith.constant 1 : i32
        %scan3A_251:3 = scf.for %scan3A_260 = %scan3A_247 to %scan3A_249 step %scan3A_250 iter_args(%scan3A_261 = %scan3A_172#0, %scan3A_262 = %select_n3A_242, %scan3A_263 = %add3A_246) -> (vector<16xf32>, vector<16xi32>, vector<16xi32>)  : i32 {
          %add3A_264 = arith.constant 1 : i32
          %add3A_265 = vector.broadcast %add3A_264 : i32 to vector<16xi32>
          %add3A_266 = arith.addi %scan3A_263, %add3A_265 : vector<16xi32>
          %and3A_267 = arith.constant 255 : i32
          %and3A_268 = vector.broadcast %and3A_267 : i32 to vector<16xi32>
          %and3A_269 = arith.andi %add3A_266, %and3A_268 : vector<16xi32>
          %gather3A_270 = tpu.vector_load_idx %arg5[%add3A_165, %and3A_269] : memref<128x256xf32, #tpu.memory_space<vmem>>[vector<16xi32>, vector<16xi32>], vector<16xf32>,
          %gt3A_271 = arith.cmpf ogt, %gather3A_270, %scan3A_261 : vector<16xf32>
          %select_n3A_272 = arith.select %gt3A_271, %gather3A_270, %scan3A_261 : vector<16xi1>, vector<16xf32>
          %select_n3A_273 = arith.select %gt3A_271, %and3A_269, %scan3A_262 : vector<16xi1>, vector<16xi32>
          scf.yield %select_n3A_272, %select_n3A_273, %and3A_269 : vector<16xf32>, vector<16xi32>, vector<16xi32>
        }
        %scan3A_252 = arith.constant 16 : i32
        %gt3A = arith.constant 0.000000e+00 : f32
        %gt3A_253 = vector.broadcast %gt3A : f32 to vector<16xf32>
        %gt3A_254 = arith.cmpf ogt, %scan3A_251#0, %gt3A_253 : vector<16xf32>
        %jit3A_255 = arith.constant -1 : i32
        %broadcast_in_dim3A_256 = vector.broadcast %jit3A_255 : i32 to vector<16xi32>
        %select_n3A_257 = arith.select %gt3A_254, %scan3A_251#1, %broadcast_in_dim3A_256 : vector<16xi1>, vector<16xi32>
        %swap3A = arith.index_cast %add3A_161 : i32 to index
        %swap3A_258 = tpu.vector_load %arg6[%swap3A] {strides = array<i32>} : memref<1792xi32, #tpu.memory_space<vmem>>, vector<16xi32>,
        tpu.vector_store %arg6[%swap3A], %select_n3A_257 {strides = array<i32>} : memref<1792xi32, #tpu.memory_space<vmem>>, vector<16xi32>,
        %scan3A_259 = arith.constant 0 : i32
        scf.yield %scan3A_259 : i32
      }
      %scan3A_146 = arith.constant 8 : i32
      %add3A_147 = arith.constant 2 : i32
      %add3A_148 = arith.addi %add3A_130, %add3A_147 : i32
      %lt3A_149 = arith.constant 14 : i32
      %lt3A_150 = arith.cmpi slt, %add3A_148, %lt3A_149 : i32
      %convert_element_type3A_151 = arith.extui %lt3A_150 : i1 to i32
      %cond3A_152 = arith.constant 0 : i32
      %cond3A_153 = arith.cmpi ne, %convert_element_type3A_151, %cond3A_152 : i32
      scf.if %cond3A_153 {
        %add3A_155 = arith.constant 2 : i32
        %add3A_156 = arith.addi %add3A_130, %add3A_155 : i32
        %jit3A_157 = arith.constant 7 : i32
        %div3A_158 = arith.divsi %add3A_156, %jit3A_157 : i32
        %sign3A_159 = arith.constant 0 : i32
        %sign3A_160 = arith.cmpi sgt, %add3A_156, %sign3A_159 : i32
        %sign3A_161 = arith.extui %sign3A_160 : i1 to i32
        %sign3A_162 = arith.constant 0 : i32
        %sign3A_163 = arith.cmpi slt, %add3A_156, %sign3A_162 : i32
        %sign3A_164 = arith.extui %sign3A_163 : i1 to i32
        %sign3A_165 = arith.subi %sign3A_161, %sign3A_164 : i32
        %sign3A_166 = arith.constant 0 : i32
        %sign3A_167 = arith.cmpi sgt, %jit3A_157, %sign3A_166 : i32
        %sign3A_168 = arith.extui %sign3A_167 : i1 to i32
        %sign3A_169 = arith.constant 0 : i32
        %sign3A_170 = arith.cmpi slt, %jit3A_157, %sign3A_169 : i32
        %sign3A_171 = arith.extui %sign3A_170 : i1 to i32
        %sign3A_172 = arith.subi %sign3A_168, %sign3A_171 : i32
        %ne3A_173 = arith.cmpi ne, %sign3A_165, %sign3A_172 : i32
        %rem3A_174 = arith.remsi %add3A_156, %jit3A_157 : i32
        %ne3A_175 = arith.constant 0 : i32
        %ne3A_176 = arith.cmpi ne, %rem3A_174, %ne3A_175 : i32
        %and3A_177 = arith.andi %ne3A_173, %ne3A_176 : i1
        %sub3A_178 = arith.constant 1 : i32
        %sub3A_179 = arith.subi %div3A_158, %sub3A_178 : i32
        %select_n3A_180 = arith.select %and3A_177, %sub3A_179, %div3A_158 : i32
        %add3A_181 = arith.addi %mul3A_2, %select_n3A_180 : i32
        %jit3A_182 = arith.constant 7 : i32
        %eq3A_183 = arith.constant 0 : i32
        %eq3A_184 = arith.cmpi eq, %jit3A_182, %eq3A_183 : i32
        %jit3A_185 = arith.constant 1 : i32
        %select_n3A_186 = arith.select %eq3A_184, %jit3A_185, %jit3A_182 : i32
        %rem3A_187 = arith.remsi %add3A_156, %select_n3A_186 : i32
        %ne3A_188 = arith.constant 0 : i32
        %ne3A_189 = arith.cmpi ne, %rem3A_187, %ne3A_188 : i32
        %lt3A_190 = arith.constant 0 : i32
        %lt3A_191 = arith.cmpi slt, %rem3A_187, %lt3A_190 : i32
        %lt3A_192 = arith.constant 0 : i32
        %lt3A_193 = arith.cmpi slt, %select_n3A_186, %lt3A_192 : i32
        %ne3A_194 = arith.xori %lt3A_191, %lt3A_193 : i1
        %and3A_195 = arith.andi %ne3A_194, %ne3A_189 : i1
        %add3A_196 = arith.addi %rem3A_187, %select_n3A_186 : i32
        %select_n3A_197 = arith.select %and3A_195, %add3A_196, %rem3A_187 : i32
        %mul3A_198 = arith.constant 128 : i32
        %mul3A_199 = arith.muli %select_n3A_197, %mul3A_198 : i32
        %dma_start3A_200 = arith.constant 0 : i32
        %dma_start3A_201 = tpu.memref_slice %arg2[%add3A_181, %mul3A_199, %dma_start3A_200] : memref<64x2048x256xf32, #tpu.memory_space<hbm>> -> memref<1x128x256xf32, #tpu.memory_space<hbm>>
        %dma_start3A_202 = tpu.memref_squeeze %dma_start3A_201 : memref<1x128x256xf32, #tpu.memory_space<hbm>> -> memref<128x256xf32, #tpu.memory_space<hbm>>
        %dma_start3A_203 = arith.constant 0 : i32
        %dma_start3A_204 = tpu.memref_slice %arg2[%add3A_181, %mul3A_199, %dma_start3A_203] : memref<64x2048x256xf32, #tpu.memory_space<hbm>> -> memref<1x128x256xf32, #tpu.memory_space<hbm>>
        %dma_start3A_205 = tpu.memref_squeeze %dma_start3A_204 : memref<1x128x256xf32, #tpu.memory_space<hbm>> -> memref<128x256xf32, #tpu.memory_space<hbm>>
        tpu.enqueue_dma source(%dma_start3A_205 : memref<128x256xf32, #tpu.memory_space<hbm>>) target(%arg5 : memref<128x256xf32, #tpu.memory_space<vmem>>) target_semaphore(%arg8 : memref<!tpu.dma_semaphore, #tpu.memory_space<semaphore_mem>>)
      } else {
      }
      %scan3A_154 = arith.constant 0 : i32
      scf.yield %scan3A_154 : i32
    }
    %scan3A_100 = arith.constant 7 : i32
    %add3A_101 = arith.constant 0 : i32
    %add3A_102 = arith.addi %mul3A_2, %add3A_101 : i32
    "tpu.region"() ({
      %run_scoped3A = tpu.sem_alloc : memref<!tpu.dma_semaphore, #tpu.memory_space<semaphore_mem>>
      %dma_start3A_105 = arith.constant 0 : i32
      %dma_start3A_106 = tpu.memref_slice %arg6[%dma_start3A_105] : memref<1792xi32, #tpu.memory_space<vmem>> -> memref<896xi32, #tpu.memory_space<vmem>>
      %dma_start3A_107 = arith.constant 0 : i32
      %dma_start3A_108 = tpu.memref_slice %arg3[%add3A_102, %dma_start3A_107] : memref<64x896xi32, #tpu.memory_space<hbm>> -> memref<1x896xi32, #tpu.memory_space<hbm>>
      %dma_start3A_109 = tpu.memref_squeeze %dma_start3A_108 : memref<1x896xi32, #tpu.memory_space<hbm>> -> memref<896xi32, #tpu.memory_space<hbm>>
      %dma_start3A_110 = arith.constant 0 : i32
      %dma_start3A_111 = tpu.memref_slice %arg3[%add3A_102, %dma_start3A_110] : memref<64x896xi32, #tpu.memory_space<hbm>> -> memref<1x896xi32, #tpu.memory_space<hbm>>
      %dma_start3A_112 = tpu.memref_squeeze %dma_start3A_111 : memref<1x896xi32, #tpu.memory_space<hbm>> -> memref<896xi32, #tpu.memory_space<hbm>>
      %dma_start3A_113 = arith.constant 0 : i32
      %dma_start3A_114 = tpu.memref_slice %arg6[%dma_start3A_113] : memref<1792xi32, #tpu.memory_space<vmem>> -> memref<896xi32, #tpu.memory_space<vmem>>
      tpu.enqueue_dma source(%dma_start3A_114 : memref<896xi32, #tpu.memory_space<vmem>>) target(%dma_start3A_112 : memref<896xi32, #tpu.memory_space<hbm>>) target_semaphore(%run_scoped3A : memref<!tpu.dma_semaphore, #tpu.memory_space<semaphore_mem>>)
      %dma_wait3A = arith.constant 0 : i32
      %dma_wait3A_115 = tpu.memref_slice %arg6[%dma_wait3A] : memref<1792xi32, #tpu.memory_space<vmem>> -> memref<896xi32, #tpu.memory_space<vmem>>
      %dma_wait3A_116 = arith.constant 0 : i32
      %dma_wait3A_117 = tpu.memref_slice %arg3[%add3A_102, %dma_wait3A_116] : memref<64x896xi32, #tpu.memory_space<hbm>> -> memref<1x896xi32, #tpu.memory_space<hbm>>
      %dma_wait3A_118 = tpu.memref_squeeze %dma_wait3A_117 : memref<1x896xi32, #tpu.memory_space<hbm>> -> memref<896xi32, #tpu.memory_space<hbm>>
      %dma_wait3A_119 = arith.constant 0 : i32
      %dma_wait3A_120 = tpu.memref_slice %arg3[%add3A_102, %dma_wait3A_119] : memref<64x896xi32, #tpu.memory_space<hbm>> -> memref<1x896xi32, #tpu.memory_space<hbm>>
      %dma_wait3A_121 = tpu.memref_squeeze %dma_wait3A_120 : memref<1x896xi32, #tpu.memory_space<hbm>> -> memref<896xi32, #tpu.memory_space<hbm>>
      %dma_wait3A_122 = arith.constant 0 : i32
      %dma_wait3A_123 = tpu.memref_slice %arg6[%dma_wait3A_122] : memref<1792xi32, #tpu.memory_space<vmem>> -> memref<896xi32, #tpu.memory_space<vmem>>
      tpu.wait_dma2 semaphore(%run_scoped3A : memref<!tpu.dma_semaphore, #tpu.memory_space<semaphore_mem>>) src(%dma_wait3A_123 : memref<896xi32, #tpu.memory_space<vmem>>) dst(%dma_wait3A_121 : memref<896xi32, #tpu.memory_space<hbm>>)
      tpu.yield
    }) : () -> ()
    %add3A_103 = arith.constant 1 : i32
    %add3A_104 = arith.addi %mul3A_2, %add3A_103 : i32
    "tpu.region"() ({
      %run_scoped3A = tpu.sem_alloc : memref<!tpu.dma_semaphore, #tpu.memory_space<semaphore_mem>>
      %dma_start3A_105 = arith.constant 896 : i32
      %dma_start3A_106 = tpu.memref_slice %arg6[%dma_start3A_105] : memref<1792xi32, #tpu.memory_space<vmem>> -> memref<896xi32, #tpu.memory_space<vmem>>
      %dma_start3A_107 = arith.constant 0 : i32
      %dma_start3A_108 = tpu.memref_slice %arg3[%add3A_104, %dma_start3A_107] : memref<64x896xi32, #tpu.memory_space<hbm>> -> memref<1x896xi32, #tpu.memory_space<hbm>>
      %dma_start3A_109 = tpu.memref_squeeze %dma_start3A_108 : memref<1x896xi32, #tpu.memory_space<hbm>> -> memref<896xi32, #tpu.memory_space<hbm>>
      %dma_start3A_110 = arith.constant 0 : i32
      %dma_start3A_111 = tpu.memref_slice %arg3[%add3A_104, %dma_start3A_110] : memref<64x896xi32, #tpu.memory_space<hbm>> -> memref<1x896xi32, #tpu.memory_space<hbm>>
      %dma_start3A_112 = tpu.memref_squeeze %dma_start3A_111 : memref<1x896xi32, #tpu.memory_space<hbm>> -> memref<896xi32, #tpu.memory_space<hbm>>
      %dma_start3A_113 = arith.constant 896 : i32
      %dma_start3A_114 = tpu.memref_slice %arg6[%dma_start3A_113] : memref<1792xi32, #tpu.memory_space<vmem>> -> memref<896xi32, #tpu.memory_space<vmem>>
      tpu.enqueue_dma source(%dma_start3A_114 : memref<896xi32, #tpu.memory_space<vmem>>) target(%dma_start3A_112 : memref<896xi32, #tpu.memory_space<hbm>>) target_semaphore(%run_scoped3A : memref<!tpu.dma_semaphore, #tpu.memory_space<semaphore_mem>>)
      %dma_wait3A = arith.constant 896 : i32
      %dma_wait3A_115 = tpu.memref_slice %arg6[%dma_wait3A] : memref<1792xi32, #tpu.memory_space<vmem>> -> memref<896xi32, #tpu.memory_space<vmem>>
      %dma_wait3A_116 = arith.constant 0 : i32
      %dma_wait3A_117 = tpu.memref_slice %arg3[%add3A_104, %dma_wait3A_116] : memref<64x896xi32, #tpu.memory_space<hbm>> -> memref<1x896xi32, #tpu.memory_space<hbm>>
      %dma_wait3A_118 = tpu.memref_squeeze %dma_wait3A_117 : memref<1x896xi32, #tpu.memory_space<hbm>> -> memref<896xi32, #tpu.memory_space<hbm>>
      %dma_wait3A_119 = arith.constant 0 : i32
      %dma_wait3A_120 = tpu.memref_slice %arg3[%add3A_104, %dma_wait3A_119] : memref<64x896xi32, #tpu.memory_space<hbm>> -> memref<1x896xi32, #tpu.memory_space<hbm>>
      %dma_wait3A_121 = tpu.memref_squeeze %dma_wait3A_120 : memref<1x896xi32, #tpu.memory_space<hbm>> -> memref<896xi32, #tpu.memory_space<hbm>>
      %dma_wait3A_122 = arith.constant 896 : i32
      %dma_wait3A_123 = tpu.memref_slice %arg6[%dma_wait3A_122] : memref<1792xi32, #tpu.memory_space<vmem>> -> memref<896xi32, #tpu.memory_space<vmem>>
      tpu.wait_dma2 semaphore(%run_scoped3A : memref<!tpu.dma_semaphore, #tpu.memory_space<semaphore_mem>>) src(%dma_wait3A_123 : memref<896xi32, #tpu.memory_space<vmem>>) dst(%dma_wait3A_121 : memref<896xi32, #tpu.memory_space<hbm>>)
      tpu.yield
    }) : () -> ()
    return
  }
}

module attributes {stable_mosaic.version = 14 : i64} {
  func.func @_tc_body(%arg0: i32, %arg1: i32, %arg2: memref<16x128x256xf32, #tpu.memory_space<vmem>>, %arg3: memref<16x128xi32, #tpu.memory_space<vmem>>) attributes {dimension_semantics = [#tpu.dimension_semantics<arbitrary>, #tpu.dimension_semantics<arbitrary>], iteration_bounds = array<i64: 4, 9>, scalar_prefetch = 0 : i64, scratch_operands = 0 : i64, tpu.core_type = #tpu.core_type<tc>, window_params = [{transform_indices = @transform_0, window_bounds = array<i64: 16, 128, 256>}, {transform_indices = @transform_1, window_bounds = array<i64: 16, 128>}]} {
    %get3A = arith.constant 0 : index
    %get3A_0 = arith.constant 0 : index
    %get3A_1 = arith.constant 0 : index
    %get3A_2 = vector.load %arg2[%get3A, %get3A_0, %get3A_1] : memref<16x128x256xf32, #tpu.memory_space<vmem>>, vector<16x128x256xf32>
    %reduce_max3A = arith.constant dense<0xFF800000> : vector<16x128xf32>
    %reduce_max3A_3 = vector.multi_reduction <maximumf>, %get3A_2, %reduce_max3A [2] : vector<16x128x256xf32> to vector<16x128xf32>
    %broadcast_in_dim3A = vector.shape_cast %reduce_max3A_3 : vector<16x128xf32> to vector<16x128x1xf32>
    %iota3A = tpu.iota {dimensions = array<i32: 2>} : vector<16x128x256xi32>
    %convert_element_type3A = arith.sitofp %iota3A : vector<16x128x256xi32> to vector<16x128x256xf32>
    %eq3A = vector.broadcast %broadcast_in_dim3A : vector<16x128x1xf32> to vector<16x128x256xf32>
    %eq3A_4 = arith.cmpf oeq, %get3A_2, %eq3A : vector<16x128x256xf32>
    %jit3A = arith.constant 2.560000e+02 : f32
    %broadcast_in_dim3A_5 = vector.broadcast %jit3A : f32 to vector<16x128x256xf32>
    %select_n3A = arith.select %eq3A_4, %convert_element_type3A, %broadcast_in_dim3A_5 : vector<16x128x256xi1>, vector<16x128x256xf32>
    %reduce_min3A = arith.constant dense<0x7F800000> : vector<16x128xf32>
    %reduce_min3A_6 = vector.multi_reduction <minimumf>, %select_n3A, %reduce_min3A [2] : vector<16x128x256xf32> to vector<16x128xf32>
    %reduce_max3A_7 = arith.constant dense<0xFF800000> : vector<16x128xf32>
    %reduce_max3A_8 = vector.multi_reduction <maximumf>, %get3A_2, %reduce_max3A_7 [2] : vector<16x128x256xf32> to vector<16x128xf32>
    %gt3A = arith.constant 0.000000e+00 : f32
    %gt3A_9 = vector.broadcast %gt3A : f32 to vector<16x128xf32>
    %gt3A_10 = arith.cmpf ogt, %reduce_max3A_8, %gt3A_9 : vector<16x128xf32>
    %convert_element_type3A_11 = arith.fptosi %reduce_min3A_6 : vector<16x128xf32> to vector<16x128xi32>
    %jit3A_12 = arith.constant -1 : i32
    %broadcast_in_dim3A_13 = vector.broadcast %jit3A_12 : i32 to vector<16x128xi32>
    %select_n3A_14 = arith.select %gt3A_10, %convert_element_type3A_11, %broadcast_in_dim3A_13 : vector<16x128xi1>, vector<16x128xi32>
    %swap3A = arith.constant 0 : index
    %swap3A_15 = arith.constant 0 : index
    %swap3A_16 = vector.load %arg3[%swap3A, %swap3A_15] : memref<16x128xi32, #tpu.memory_space<vmem>>, vector<16x128xi32>
    tpu.vector_store %arg3[%swap3A, %swap3A_15], %select_n3A_14 {strides = array<i32>} : memref<16x128xi32, #tpu.memory_space<vmem>>, vector<16x128xi32>,
    return
  }
  func.func @transform_0(%arg0: i32, %arg1: i32) -> (i32, i32, i32) {
    %add3A = arith.constant 7 : i32
    %add3A_0 = arith.addi %add3A, %arg1 : i32
    %c0_i32 = arith.constant 0 : i32
    %c0_i32_1 = arith.constant 0 : i32
    return %arg0, %add3A_0, %c0_i32 : i32, i32, i32
  }
  func.func @transform_1(%arg0: i32, %arg1: i32) -> (i32, i32) {
    %c0_i32 = arith.constant 0 : i32
    return %arg0, %arg1 : i32, i32
  }
}

module attributes {stable_mosaic.version = 14 : i64} {
  func.func @_finalize_body(%arg0: memref<32x16xf32, #tpu.memory_space<vmem>>, %arg1: memref<1x1xf32, #tpu.memory_space<vmem>>) attributes {dimension_semantics = [], scalar_prefetch = 0 : i64, scratch_operands = 0 : i64, tpu.core_type = #tpu.core_type<tc>} {
    %get3A = arith.constant 0 : index
    %get3A_0 = arith.constant 0 : index
    %get3A_1 = vector.load %arg0[%get3A, %get3A_0] : memref<32x16xf32, #tpu.memory_space<vmem>>, vector<32x16xf32>
    %reduce_sum3A = vector.shape_cast %get3A_1 : vector<32x16xf32> to vector<1x32x16xf32>
    %reduce_sum3A_2 = arith.constant dense<0.000000e+00> : vector<1xf32>
    %reduce_sum3A_3 = vector.multi_reduction <add>, %reduce_sum3A, %reduce_sum3A_2 [1, 2] : vector<1x32x16xf32> to vector<1xf32>
    %reduce_sum3A_4 = vector.shape_cast %reduce_sum3A_3 : vector<1xf32> to vector<1x1x1xf32>
    %reduce_sum3A_5 = vector.extract %reduce_sum3A_4[0, 0, 0] : f32 from vector<1x1x1xf32>
    %max3A = arith.constant 1.000000e+00 : f32
    %max3A_6 = arith.maximumf %reduce_sum3A_5, %max3A : f32
    %broadcast_in_dim3A = vector.broadcast %max3A_6 : f32 to vector<1x1xf32>
    %swap3A = arith.constant 0 : index
    %swap3A_7 = arith.constant 0 : index
    %swap3A_8 = vector.load %arg1[%swap3A, %swap3A_7] : memref<1x1xf32, #tpu.memory_space<vmem>>, vector<1x1xf32>
    tpu.vector_store %arg1[%swap3A, %swap3A_7], %broadcast_in_dim3A {strides = array<i32>} : memref<1x1xf32, #tpu.memory_space<vmem>>, vector<1x1xf32>,
    return
  }
}

</mosaic_0001>

<sc_bundles>
// kernel: kernel.6.cloned.1.call-start
scs
__scs_entry_jumppad:
0x0: {  	(pc) =	sbr.rel $0x88, $3  }
0x1: {  	(tag) =	ssettag $0x0;
	lr =	simm.s32 $0x1  }
0x2: {  	[smem:$0x3F9F] =	sst lr;
	_ =	strace $0xD0000000  }
0x3: {  	_ = 	snop  }
0x4: {  	_ = 	snop  }
0x5: {  	_ = 	snop  }
0x6: {  	_ = 	snop  }
0x7: {  	_ = 	snop  }
__scs_overlays_trampoline_lowered:
0x8: {  	[smem:$0x3FAE] =	sst s0  }
0x9: {  	[smem:$0x3FAF] =	sst s1  }
0xa: {  	[smem:$0x3FB0] =	sst s2  }
0xb: {  	[smem:$0x3FB1] =	sst s3  }
0xc: {  	[smem:$0x3FB2] =	sst s4  }
0xd: {  	[smem:$0x3FB3] =	sst s5  }
0xe: {  	[smem:$0x3FB4] =	sst s6  }
0xf: {  	[smem:$0x3FB5] =	sst s7  }
0x10: {  	[smem:$0x3FB6] =	sst s8  }
0x11: {  	[smem:$0x3FB7] =	sst s9;
	s0 =	simm.s32 @!p0 $0x0  }
0x12: {  	s1 =	sld [smem:$0x3F9D];
	s0 =	simm.s32 @p0 $0x1  }
0x13: {  	[smem:$0x3FB8] =	sst s0;
	s0 =	simm.s32 @!p1 $0x0  }
0x14: {  	s2 =	sld [smem:$0x3F9C];
	s0 =	simm.s32 @p1 $0x1  }
0x15: {  	[smem:$0x3FB9] =	sst s0;
	s0 =	simm.s32 @!p2 $0x0  }
0x16: {  	s3 =	sld [smem:$0x3FDB];
	s0 =	simm.s32 @p2 $0x1  }
0x17: {  	s4 =	simm.s32 $0x1BF5;
	[smem:$0x3FBB] =	sst s0  }
0x18: {  	s0 =	sld [smem:$0x3F9E];
	_ =	swait.ge [sflag:s4], $0x0  }
0x19: {  	s7 =	sld [smem:$0x3F9F]  }
0x1a: {  	s8 =	sadd.s32 $0xFFFFE003, lr  }
0x1b: {  	s9 =	sadd.s32 $0xFFFFFEF7, lr;
	s5 =	simm.s32 $0xFFFFFFFF;
	p2 =	slt.u32 s8, $0xFFFFF086  }
0x1c: {  	p1 =	slt.u32 s9, $0xF7A;
	s5 =	simm.s32 @!p2 $0x0  }
0x1d: {  	s5 =	simm.s32 @p1 $0x1;
	p0 =	seq.s32 s7, s2  }
0x1e: {  	s7 =	smul.u32 @!p0 $0xF7A, s2;
	p2 =	seq.s32 @!p0 s5, $0x0  }
0x1f: {  	s9 =	smul.u32 $0xF7A, s1;
	s8 =	simm.s32 @!p0 $0x1BF5;
	p2 =	por !p2, p0  }
0x20: {  	[sflag:s8] =	ssyncset.s32 @!p0 $0xFFFFF086;
	s6 =	sadd.s32 @!p0 s3, s7;
	s7 =	simm.s32 @!p0 $0x108  }
0x21: {  	s3 =	sadd.s32 s3, s9;
	s6 =	sadd.s32 @!p0 $0x88, s6;
	s7 =	simm.s32 @p2 $0x1082  }
0x22: {  	[simem:s7], [sflag:s8] =	dma.local @!p0 [hbm:s6], $0xF7A  }
0x23: {  	s9 =	sor.u32 $0xD0000000, s2;
	s6 =	simm.s32 $0x108;
	_ =	swait.ge @!p0 [sflag:s8], $0x0  }
0x24: {  	s3 =	sadd.s32 $0x88, s3;
	s6 =	simm.s32 @!p1 $0x1082;
	[sflag:s4] =	ssyncset.s32 $0xFFFFF086  }
0x25: {  	[simem:s6], [sflag:s4] =	dma.local [hbm:s3], $0xF7A  }
0x26: {  	[smem:$0x3F9F] =	sst s1;
	(tag) =	ssettag s2;
	_ =	strace s9  }
0x27: {  	s1 =	sld [smem:$0x3FAF]  }
0x28: {  	s2 =	sld [smem:$0x3FB0]  }
0x29: {  	s4 =	sld [smem:$0x3FB2]  }
0x2a: {  	p0 =	seq.s32 s5, $0x0;
	s5 =	sld [smem:$0x3FB3]  }
0x2b: {  	s6 =	sld [smem:$0x3FB4]  }
0x2c: {  	s7 =	sld [smem:$0x3FB5]  }
0x2d: {  	s3 =	simm.s32 $0x108;
	s8 =	sld [smem:$0x3FB6]  }
0x2e: {  	s3 =	simm.s32 @!p0 $0x1082;
	s9 =	sld [smem:$0x3FB7]  }
0x2f: {  	lr =	sadd.s32 s0, s3;
	s0 =	sld [smem:$0x3FAE]  }
0x30: {  	s3 =	sld [smem:$0x3FB1]  }
0x31: {  	[smem:$0x3FBA] =	sst s10  }
0x32: {  	s10 =	sld [smem:$0x3FB8];
	_ =	sdelay $0x3  }
0x33: {  	p0 =	seq.s32 s10, $0x1;
	s10 =	sld [smem:$0x3FBA];
	_ =	sdelay $0x3  }
0x34: {  	[smem:$0x3FBA] =	sst s10  }
0x35: {  	s10 =	sld [smem:$0x3FB9];
	_ =	sdelay $0x3  }
0x36: {  	p1 =	seq.s32 s10, $0x1;
	s10 =	sld [smem:$0x3FBA];
	_ =	sdelay $0x3  }
0x37: {  	[smem:$0x3FBA] =	sst s10  }
0x38: {  	s10 =	sld [smem:$0x3FBB]  }
0x39: {  	_ = 	snop;
	(pc) =	sbr.ind lr, $3  }
0x3a: {  	_ = 	snop  }
0x3b: {  	_ = 	snop  }
0x3c: {  	p2 =	seq.s32 s10, $0x1;
	s10 =	sld [smem:$0x3FBA]  }
0x3d: {  	_ =	shalt  }
0x3e: {  	_ =	shalt  }
0x3f: {  	_ =	shalt  }
0x40: {  	_ =	shalt  }
0x41: {  	_ =	shalt  }
0x42: {  	_ =	shalt  }
0x43: {  	_ =	shalt  }
0x44: {  	_ =	shalt  }
0x45: {  	_ =	shalt  }
0x46: {  	_ =	shalt  }
0x47: {  	_ =	shalt  }
0x48: {  	_ =	shalt  }
0x49: {  	_ =	shalt  }
0x4a: {  	_ =	shalt  }
0x4b: {  	_ =	shalt  }
0x4c: {  	_ =	shalt  }
0x4d: {  	_ =	shalt  }
0x4e: {  	_ =	shalt  }
0x4f: {  	_ =	shalt  }
0x50: {  	_ =	shalt  }
0x51: {  	_ =	shalt  }
0x52: {  	_ =	shalt  }
0x53: {  	_ =	shalt  }
0x54: {  	_ =	shalt  }
0x55: {  	_ =	shalt  }
0x56: {  	_ =	shalt  }
0x57: {  	_ =	shalt  }
0x58: {  	_ =	shalt  }
0x59: {  	_ =	shalt  }
0x5a: {  	_ =	shalt  }
0x5b: {  	_ =	shalt  }
0x5c: {  	_ =	shalt  }
0x5d: {  	_ =	shalt  }
0x5e: {  	_ =	shalt  }
0x5f: {  	_ =	shalt  }
0x60: {  	_ =	shalt  }
0x61: {  	_ =	shalt  }
0x62: {  	_ =	shalt  }
0x63: {  	_ =	shalt  }
0x64: {  	_ =	shalt  }
0x65: {  	_ =	shalt  }
0x66: {  	_ =	shalt  }
0x67: {  	_ =	shalt  }
0x68: {  	_ =	shalt  }
0x69: {  	_ =	shalt  }
0x6a: {  	_ =	shalt  }
0x6b: {  	_ =	shalt  }
0x6c: {  	_ =	shalt  }
0x6d: {  	_ =	shalt  }
0x6e: {  	_ =	shalt  }
0x6f: {  	_ =	shalt  }
0x70: {  	_ =	shalt  }
0x71: {  	_ =	shalt  }
0x72: {  	_ =	shalt  }
0x73: {  	_ =	shalt  }
0x74: {  	_ =	shalt  }
0x75: {  	_ =	shalt  }
0x76: {  	_ =	shalt  }
0x77: {  	_ =	shalt  }
0x78: {  	_ =	shalt  }
0x79: {  	_ =	shalt  }
0x7a: {  	_ =	shalt  }
0x7b: {  	_ =	shalt  }
0x7c: {  	_ =	shalt  }
0x7d: {  	_ =	shalt  }
0x7e: {  	_ =	shalt  }
0x7f: {  	_ =	shalt  }
0x80: {  	_ =	shalt  }
0x81: {  	_ =	shalt  }
0x82: {  	_ =	shalt  }
0x83: {  	_ =	shalt  }
0x84: {  	_ =	shalt  }
0x85: {  	_ =	shalt  }
0x86: {  	_ =	shalt  }
0x87: {  	_ =	shalt  }
.Lfunc_end0:
.L_simem_size_0:
called_computation_lowered:
.L_overlay_start_0:
0x88: {  	s2 =	sld [smem:$0x3FD9]  }
0x89: {  	s3 =	sld [smem:$0x3FFE];
	_ =	sdelay $0x1  }
0x8a: {  	s1 =	srdreg.scid  }
0x8b: {  	s0 =	sand.u32 $0x1, s1  }
0x8c: {  	s17 =	sshll.u32 s0, $0xA;
	s2 =	sadd.s32 s3, s2  }
0x8d: {  	s2 =	sadd.s32 s2, s17  }
0x8e: {  	[smem:$0x3FC6] =	sst s2  }
0x8f: {  	_ = 	snop  }
0x90: {  	s2 =	sld [smem:$0x3FC9];
	(tm) =	ssettm $0x1  }
0x91: {  	s18 =	sld [smem:$0x3FFB];
	_ =	sdelay $0x3  }
0x92: {  	_ =	strace s18  }
0x93: {  	s3 =	sld [smem:$0x3FFC];
	_ =	sdelay $0x3  }
0x94: {  	_ =	strace s3  }
0x95: {  	s3 =	sld [smem:$0x3FFD];
	_ =	sdelay $0x3  }
0x96: {  	_ =	strace s3  }
0x97: {  	_ =	strace $0x8FFFFFFF  }
0x98: {  	s19 =	sld [smem:$0x3FDB];
	_ =	sdelay $0x1  }
0x99: {  	s4 =	simm.s32 $_scs_section_size  }
0x9a: {  	s5 =	simm.s32 $_size__tile_overlayer_lowered;
	s6 =	simm.s32 $_tile_overlayer_lowered  }
0x9b: {  	s22 =	simm.s32 $0x1BFF;
	s21 =	sshll.u32 s6, $0x1;
	s3 =	sadd.s32 s4, s19  }
0x9c: {  	s7 =	simm.s32 $0x0;
	s20 =	sshll.u32 s5, $0x1;
	s5 =	sadd.s32 s21, s3  }
0x9d: {  	[timem:s7], [sflag:s22] =	dma.local [hbm:s5], s20  }
0x9e: {  	_ =	swait.ge [sflag:s22], s20  }
0x9f: {  	s4 =	ssub.s32 $0x0, s20;
	[sflag:s22] =	ssyncset.done $0x0  }
0xa0: {  	[sflag:s22] =	ssyncadd.s32 s4;
	_ =	sdelay $0x1  }
0xa1: {  	s23 =	simm.s32 $0x1B8B  }
0xa2: {  	_ =	swait.ge [sflag:s23], $0x1  }
0xa3: {  	[sflag:s23] =	ssyncset.done $0x0  }
0xa4: {  	s25 =	simm.s32 $0x1B8E;
	s24 =	sld [smem:$0x3FFE];
	[sflag:s23] =	ssyncadd.s32 $0xFFFFFFFF  }
0xa5: {  	s26 =	simm.s32 $execute0_lowered;
	[smem:$0x3FD2] =	sst s25  }
0xa6: {  	s5 =	sshll.u32 s26, $0x1;
	_ =	strace $0x80000046;
	[dreg:$0x1] =	wrdreg $0xFFFFFFFF  }
0xa7: {  	s28 =	simm.s32 $_size_execute0_lowered;
	s3 =	sadd.s32 s3, s5;
	[dreg:$0x0] =	wrdreg $0x0  }
0xa8: {  	s5 =	sshll.u32 s28, $0x1;
	[dreg:$0x2] =	wrdreg s3  }
0xa9: {  	[dreg:$0x3] =	wrdreg s5  }
0xaa: {  	[dreg:$0x4] =	wrdreg $0xC0  }
0xab: {  	_ =	task [dreg:s7], $0x5FFFF  }
0xac: {  	[dreg:$0x1] =	wrdreg $0xFFFFFFFF  }
0xad: {  	[dreg:$0x0] =	wrdreg $0x60  }
0xae: {  	[dreg:$0x2] =	wrdreg s2  }
0xaf: {  	[dreg:$0x3] =	wrdreg s24  }
0xb0: {  	[dreg:$0x4] =	wrdreg $0x9  }
0xb1: {  	_ =	task.clear_ibuf [dreg:s7], $0x5FFFF;
	_ =	strace $0x90000046  }
0xb2: {  	s29 =	simm.s32 $0x9;
	_ =	strace $0x80000048  }
0xb3: {  	_ =	swait.ge [sflag:s29], $0x1  }
0xb4: {  	[sflag:s29] =	ssyncadd.s32 $0xFFFFFFFF  }
0xb5: {  	_ =	strace $0x90000048  }
0xb6: {  	_ =	sfence  }
0xb7: {  	s30 =	sld [smem:$0x0];
	_ =	sdelay $0x2  }
0xb8: {  	s31 =	sshll.u32 s1, $0xD;
	s1 =	sshrl.u32 s1, $0x2  }
0xb9: {  	s3 =	sand.u32 $0x4000, s31;
	s1 =	sadd.s32 s1, s30  }
0xba: {  	s0 =	sor.u32 s3, s0;
	s1 =	sshll.u32 s1, $0x11  }
0xbb: {  	s0 =	sor.u32 s1, s0  }
0xbc: {  	s0 =	sadd.s32 $0x8F2B, s0  }
0xbd: {  	[sflag:s0] =	ssyncadd.remote.s32 $0x1  }
0xbe: {  	_ =	sfence.sel $0xFFFF  }
0xbf: {  	[dreg:$0x0] =	wrdreg $0xFFFFFFFF;
	(pc) =	sbr.abs _section_cstart, $3  }
0xc0: {  	[dreg:$0x1] =	wrdreg $0xFFFFFFFF  }
0xc1: {  	_ =	task.clear_ibuf [dreg:s7], $0x2FFFF;
	_ =	strace $0x9FFFFFFF  }
0xc2: {  	(tm) =	ssettm $0x7FFFFFFF  }
0xc3: {  	_ =	shalt  }
tec
execute0_lowered:
.L_overlay_start_1:
0x0: {  	(tag) =	ssettag $0x1  }
0x1: {  	s2 =	rddreg [dreg:$0x0];
	s0 =	srdreg.scid  }
0x2: {  	s6 =	rddreg [dreg:$0x1];
	s1 =	stileid.u32;
	s3 =	simm.s32 $0x0  }
0x3: {  	s11 =	simm.s32 $0x1;
	s12 =	simm.s32 $0x2;
	s13 =	simm.s32 $0x80  }
0x4: {  	s14 =	simm.s32 $0x400;
	s15 =	simm.s32 $0x10000;
	s16 =	simm.s32 $0x3  }
0x5: {  	s17 =	simm.s32 $0x10380;
	s18 =	simm.s32 $0x0;
	s5 =	sand.u32 $0x1, s0  }
0x6: {  	s0 =	rddreg [dreg:$0x2];
	s4 =	sshll.u32 s1, $0x2;
	s7 =	sshll.u32 s5, $0x1  }
0x7: {  	s29 =	sshrl.u32 s1, $0x1;
	[smem:$0x7FF] =	sst s3;
	s4 =	sor.u32 s7, s4  }
0x8: {  	_ =	strace $0x80000047;
	s7 =	smul.u32 $0x1C00, s29;
	s8 =	sshll.u32 s4, $0x7  }
.Ltmp0:
0x9: {  	v0 =	vlaneseq.u32;
	s30 =	ssub.s32 $0x2, s5;
	s8 =	sand.u32 $0x300, s8;
	(pc) =	sbr.rel .LBB2_1-.Ltmp0, $4  }
0xa: {  	v1 =	vmul.u32 $0x100, v0;
	v2 =	vand.u32 $0x7, v0;
	s9 =	sshrl.u32 s30, $0x1;
	s31 =	sshll.u32 s4, $0x10;
	s7 =	sor.u32 s7, s8  }
0xb: {  	v3 =	vadd.s32 $0x1, v0;
	v4 =	vadd.s32 $0x2, v0;
	v5 =	vadd.s32 $0x3, v0;
	s9 =	ssub.s32 s30, s9;
	s5 =	sadd.s32 s2, s31;
	s7 =	sshrl.u32 s7, $0x3  }
0xc: {  	v6 =	vadd.s32 $0x4, v0;
	v7 =	vadd.s32 $0x5, v0;
	v8 =	vadd.s32 $0x6, v0;
	s9 =	smax.u32 s9, $0x1;
	s10 =	sadd.s32 s7, s6;
	s6 =	sadd.s32 $0x1000, s5  }
0xd: {  	v9 =	vadd.s32 $0x7, v0;
	v10 =	vadd.s32 $0xEF, v0;
	v2 =	vmul.u32 $0x80, v2;
	s7 =	sadd.s32 $0x1200, s10;
	s8 =	sadd.s32 $0x1210, s10;
	s10 =	simm.s32 $0x8000  }
.LBB2_16:
0xe: {  	[hbm4b:s7+s13] =	stream.strided.scatter [tilespmem:s15], [sflag:$0x3], $0x380, s14, s13, $0x38;
	[tilespmem:$0x10700] =	vst v63  }
0xf: {  	s18 =	sadd.s32 $0x1, s18;
	_ =	swait.ge [sflag:s16], $0x380  }
0x10: {  	p0 =	sne.s32 s18, s9;
	[sflag:s16] =	ssyncset.done $0x0  }
.Ltmp1:
0x11: {  	[sflag:s16] =	ssyncadd.s32 $0xFFFFFC80;
	(pc) =	sbr.rel @!p0 .LBB2_17-.Ltmp1, $4  }
0x12: {  	[hbm4b:s8+s13] =	stream.strided.scatter [tilespmem:s17], [sflag:$0x3], $0x380, s14, s13, $0x38;
	[tilespmem:$0x10700] =	vst v63  }
0x13: {  	_ =	swait.ge [sflag:s16], $0x380  }
0x14: {  	[sflag:s16] =	ssyncset.done $0x0  }
0x15: {  	[sflag:s16] =	ssyncadd.s32 $0xFFFFFC80  }
.LBB2_1:
0x16: {  	[tilespmem:s3], [sflag:$0x1] =	stream.linear.gather [hbm4b:s5+s3], $0x8000, $0x38;
	[tilespmem:$0x10700] =	vst v63  }
0x17: {  	s19 =	simm.s32 $0x0  }
0x18: {  	[tilespmem:s10], [sflag:$0x2] =	stream.linear.gather [hbm4b:s6+s3], $0x8000, $0x38;
	[tilespmem:$0x10700] =	vst v63  }
.LBB2_2:
0x19: {  	s20 =	sshll.u32 s19, $0x8  }
0x1a: {  	_ =	swait.ge [sflag:s11], $0x8000;
	s20 =	sand.u32 $0x3FFFFF00, s20  }
0x1b: {  	[sflag:s11] =	ssyncset.done $0x0;
	s22 =	sadd.s32 $0x10000, s20  }
0x1c: {  	s21 =	simm.s32 $0x0;
	[sflag:s11] =	ssyncadd.s32 $0xFFFF8000;
	v15 =	vmov s22;
	s22 =	simm.s32 $0x0  }
.LBB2_3:
0x1d: {  	v13 =	vimm.f32 $-Inf;
	v12 =	vimm.s32 $0x0;
	v14 =	vadd.s32 s21, v0  }
0x1e: {  	v17 =	vadd.s32 s21, v3;
	v18 =	vadd.s32 s21, v4;
	v19 =	vadd.s32 s21, v5  }
0x1f: {  	s23 =	sshll.u32 s22, $0x4;
	v20 =	vadd.s32 s21, v6;
	v21 =	vadd.s32 s21, v7;
	v22 =	vadd.s32 s21, v8  }
0x20: {  	v23 =	vadd.s32 s21, v9;
	v11 =	vmov s23;
	v24 =	vand.u32 $0x7F, v14  }
0x21: {  	v25 =	vand.u32 $0x7F, v17;
	v26 =	vand.u32 $0x7F, v18;
	v27 =	vand.u32 $0x7F, v19  }
0x22: {  	v28 =	vand.u32 $0x7F, v20;
	v29 =	vand.u32 $0x7F, v21;
	v14 =	vshll.u32 v14, $0x3  }
0x23: {  	v17 =	vshll.u32 v17, $0x3;
	v30 =	vand.u32 $0x7F, v22;
	v11 =	vshll.u32 v11, $0x8  }
0x24: {  	v18 =	vshll.u32 v18, $0x3;
	v19 =	vshll.u32 v19, $0x3;
	v11 =	vor.u32 v1, v11  }
0x25: {  	v20 =	vshll.u32 v20, $0x3;
	v21 =	vshll.u32 v21, $0x3;
	v11 =	vand.u32 $0x7800, v11  }
0x26: {  	v22 =	vshll.u32 v22, $0x3;
	v14 =	vand.u32 $0xC00, v14;
	v16 =	vor.u32 v2, v11  }
0x27: {  	v31 =	vshll.u32 v23, $0x3;
	v17 =	vand.u32 $0xC00, v17;
	v14 =	vadd.s32 v16, v14  }
0x28: {  	v18 =	vand.u32 $0xC00, v18;
	v17 =	vadd.s32 v16, v17;
	v14 =	vor.u32 v24, v14  }
0x29: {  	v19 =	vand.u32 $0xC00, v19;
	v18 =	vadd.s32 v16, v18;
	v17 =	vor.u32 v25, v17  }
0x2a: {  	v20 =	vand.u32 $0xC00, v20;
	v19 =	vadd.s32 v16, v19;
	v18 =	vor.u32 v26, v18  }
0x2b: {  	v21 =	vand.u32 $0xC00, v21;
	v20 =	vadd.s32 v16, v20;
	v19 =	vor.u32 v27, v19  }
0x2c: {  	v22 =	vand.u32 $0xC00, v22;
	v21 =	vadd.s32 v16, v21;
	v20 =	vor.u32 v28, v20  }
0x2d: {  	v21 =	vor.u32 v29, v21;
	v24 =	vld.idx.msk [tilespmem:v14+s3+$0x0], $0xffff;
	v14 =	vadd.s32 v16, v22;
	v22 =	vand.u32 $0xC00, v31  }
0x2e: {  	s24 =	simm.s32 $0x8;
	v25 =	vld.idx.msk [tilespmem:v17+s3+$0x0], $0xffff;
	v17 =	vor.u32 v30, v14;
	v14 =	vand.u32 $0x7F, v23;
	v22 =	vadd.s32 v16, v22  }
0x2f: {  	v62 =	vadd.s32 s24, v6;
	v32 =	vadd.s32 s24, v8;
	v23 =	vld.idx.msk [tilespmem:v18+s3+$0x0], $0xffff;
	v18 =	vor.u32 v14, v22  }
0x30: {  	v26 =	vadd.s32 s24, v3;
	v28 =	vadd.s32 s24, v4;
	v29 =	vadd.s32 s24, v5;
	v27 =	vld.idx.msk [tilespmem:v19+s3+$0x0], $0xffff  }
0x31: {  	v35 =	vand.u32 $0x7F, v26;
	v36 =	vand.u32 $0x7F, v28;
	v38 =	vand.u32 $0x7F, v29;
	v63 =	vld.idx.msk [tilespmem:v20+s3+$0x0], $0xffff  }
0x32: {  	v26 =	vshll.u32 v26, $0x3;
	v28 =	vshll.u32 v28, $0x3;
	v29 =	vshll.u32 v29, $0x3;
	v33 =	vld.idx.msk [tilespmem:v21+s3+$0x0], $0xffff  }
0x33: {  	v26 =	vand.u32 $0xC00, v26;
	v28 =	vand.u32 $0xC00, v28;
	v29 =	vand.u32 $0xC00, v29;
	v37 =	vld.idx.msk [tilespmem:v17+s3+$0x0], $0xffff  }
0x34: {  	v20 =	vadd.s32 s24, v7;
	v19 =	vand.u32 $0x7F, v62;
	v21 =	vshll.u32 v32, $0x3;
	v39 =	vld.idx.msk [tilespmem:v18+s3+$0x0], $0xffff  }
0x35: {  	v30 =	vshll.u32 v62, $0x3;
	v40 =	vshll.u32 v20, $0x3;
	v22 =	vadd.s32 s24, v0  }
0x36: {  	v14 =	vadd.s32 s24, v9;
	v34 =	vand.u32 $0x7F, v22;
	v22 =	vshll.u32 v22, $0x3  }
0x37: {  	v30 =	vand.u32 $0xC00, v30;
	v22 =	vand.u32 $0xC00, v22;
	v24 =	vmax.f32 v24, v25  }
0x38: {  	v25 =	vmax.f32 v63, v33;
	v22 =	vadd.s32 v16, v22;
	v17 =	vand.u32 $0x7F, v20  }
0x39: {  	v20 =	vshll.u32 v14, $0x3;
	v23 =	vmax.f32 v23, v27;
	v27 =	vmax.f32 v37, v39  }
0x3a: {  	v18 =	vand.u32 $0x7F, v32;
	v23 =	vmax.f32 v24, v23;
	v24 =	vmax.f32 v25, v27  }
0x3b: {  	v25 =	vor.u32 v34, v22;
	v22 =	vadd.s32 v16, v26;
	v27 =	vand.u32 $0xC00, v40  }
0x3c: {  	v26 =	vmax.f32 v23, v24;
	v24 =	vor.u32 v35, v22;
	v22 =	vadd.s32 v16, v28  }
0x3d: {  	vm0 =	vgt.f32 v26, v13;
	v23 =	vor.u32 v36, v22;
	v22 =	vadd.s32 v16, v29  }
0x3e: {  	s26 =	simm.s32 $0x10;
	s25 =	simm.s32 $0x0;
	v13 =	vsel vm0, v26, v13;
	v22 =	vor.u32 v38, v22;
	v26 =	vadd.s32 v16, v30  }
.LBB2_4:
0x3f: {  	p0 =	sne.s32 s26, $0xE8;
	v19 =	vor.u32 v19, v26;
	v26 =	vadd.s32 v16, v27;
	v21 =	vand.u32 $0xC00, v21  }
0x40: {  	v20 =	vand.u32 $0xC00, v20;
	v25 =	vld.idx.msk [tilespmem:v25+s3+$0x0], $0xffff;
	v17 =	vor.u32 v17, v26;
	v21 =	vadd.s32 v16, v21  }
0x41: {  	v14 =	vand.u32 $0x7F, v14;
	v20 =	vadd.s32 v16, v20;
	v24 =	vld.idx.msk [tilespmem:v24+s3+$0x0], $0xffff;
	v18 =	vor.u32 v18, v21  }
0x42: {  	v12 =	vsel vm0, s25, v12;
	s25 =	smov.u32 s24;
	s24 =	smov.u32 s26;
	v20 =	vor.u32 v14, v20;
	v23 =	vld.idx.msk [tilespmem:v23+s3+$0x0], $0xffff  }
0x43: {  	v26 =	vadd.s32 s26, v3;
	v21 =	vadd.s32 s26, v0;
	v22 =	vld.idx.msk [tilespmem:v22+s3+$0x0], $0xffff  }
0x44: {  	v27 =	vadd.s32 s26, v4;
	v28 =	vadd.s32 s26, v5;
	v29 =	vadd.s32 s26, v6;
	v30 =	vld.idx.msk [tilespmem:v19+s3+$0x0], $0xffff  }
0x45: {  	v31 =	vadd.s32 s26, v7;
	v32 =	vadd.s32 s26, v8;
	v14 =	vadd.s32 s26, v9;
	v33 =	vld.idx.msk [tilespmem:v17+s3+$0x0], $0xffff  }
0x46: {  	v36 =	vand.u32 $0x7F, v27;
	v35 =	vand.u32 $0x7F, v26;
	v34 =	vand.u32 $0x7F, v21;
	v37 =	vld.idx.msk [tilespmem:v18+s3+$0x0], $0xffff  }
0x47: {  	v38 =	vand.u32 $0x7F, v28;
	v19 =	vand.u32 $0x7F, v29;
	v17 =	vand.u32 $0x7F, v31;
	v39 =	vld.idx.msk [tilespmem:v20+s3+$0x0], $0xffff  }
0x48: {  	v26 =	vshll.u32 v26, $0x3;
	v40 =	vshll.u32 v21, $0x3;
	v18 =	vand.u32 $0x7F, v32  }
0x49: {  	v27 =	vshll.u32 v27, $0x3;
	v28 =	vshll.u32 v28, $0x3;
	v29 =	vshll.u32 v29, $0x3  }
0x4a: {  	v21 =	vshll.u32 v32, $0x3;
	v31 =	vshll.u32 v31, $0x3;
	v20 =	vshll.u32 v14, $0x3  }
0x4b: {  	v27 =	vand.u32 $0xC00, v27;
	v26 =	vand.u32 $0xC00, v26;
	v32 =	vand.u32 $0xC00, v40  }
0x4c: {  	v28 =	vand.u32 $0xC00, v28;
	v29 =	vand.u32 $0xC00, v29;
	v24 =	vmax.f32 v25, v24  }
0x4d: {  	v22 =	vmax.f32 v23, v22;
	v23 =	vmax.f32 v30, v33;
	v25 =	vmax.f32 v37, v39  }
.Ltmp2:
0x4e: {  	v22 =	vmax.f32 v24, v22;
	v30 =	vadd.s32 v16, v32;
	v23 =	vmax.f32 v23, v25;
	(pc) =	sbr.rel @p0 .LBB2_4-.Ltmp2, $4  }
0x4f: {  	v24 =	vadd.s32 v16, v26;
	v25 =	vor.u32 v34, v30;
	v22 =	vmax.f32 v22, v23  }
0x50: {  	v24 =	vor.u32 v35, v24;
	v23 =	vadd.s32 v16, v27;
	vm0 =	vgt.f32 v22, v13  }
0x51: {  	v26 =	vadd.s32 v16, v28;
	v23 =	vor.u32 v36, v23;
	v13 =	vsel vm0, v22, v13  }
0x52: {  	s26 =	sadd.s32 $0x8, s26;
	v27 =	vand.u32 $0xC00, v31;
	v22 =	vor.u32 v38, v26;
	v26 =	vadd.s32 v16, v29  }
0x53: {  	_ =	sdelay $0x2  }
0x54: {  	v19 =	vor.u32 v19, v26;
	v49 =	vadd.s32 v16, v27;
	v21 =	vand.u32 $0xC00, v21  }
0x55: {  	v25 =	vld.idx.msk [tilespmem:v25+s3+$0x0], $0xffff;
	v20 =	vand.u32 $0xC00, v20;
	v17 =	vor.u32 v17, v49;
	v21 =	vadd.s32 v16, v21  }
0x56: {  	v24 =	vld.idx.msk [tilespmem:v24+s3+$0x0], $0xffff;
	v14 =	vand.u32 $0x7F, v14;
	v20 =	vadd.s32 v16, v20;
	v18 =	vor.u32 v18, v21  }
0x57: {  	v21 =	vld.idx.msk [tilespmem:v23+s3+$0x0], $0xffff;
	v14 =	vor.u32 v14, v20  }
0x58: {  	v20 =	vld.idx.msk [tilespmem:v22+s3+$0x0], $0xffff  }
0x59: {  	v19 =	vld.idx.msk [tilespmem:v19+s3+$0x0], $0xffff  }
0x5a: {  	v17 =	vld.idx.msk [tilespmem:v17+s3+$0x0], $0xffff  }
0x5b: {  	v18 =	vld.idx.msk [tilespmem:v18+s3+$0x0], $0xffff  }
0x5c: {  	v14 =	vld.idx.msk [tilespmem:v14+s3+$0x0], $0xffff;
	_ =	sdelay $0x3  }
0x5d: {  	v22 =	vmax.f32 v25, v24  }
0x5e: {  	v20 =	vmax.f32 v21, v20;
	v17 =	vmax.f32 v19, v17;
	v14 =	vmax.f32 v18, v14  }
0x5f: {  	v18 =	vmax.f32 v22, v20;
	v14 =	vmax.f32 v17, v14  }
0x60: {  	v14 =	vmax.f32 v18, v14  }
0x61: {  	v12 =	vsel vm0, s25, v12;
	vm4 =	vgt.f32 v14, v13  }
0x62: {  	v12 =	vsel vm4, s24, v12  }
0x63: {  	v18 =	vadd.s32 v0, v12  }
0x64: {  	v17 =	vshll.u32 v18, $0x3  }
0x65: {  	v17 =	vand.u32 $0xFFFFFC00, v17  }
0x66: {  	v19 =	vand.u32 $0x7F, v18;
	v17 =	vadd.s32 v11, v17  }
0x67: {  	v17 =	vor.u32 v19, v17  }
0x68: {  	v19 =	vadd.s32 v3, v12;
	v17 =	vor.u32 v2, v17  }
0x69: {  	v21 =	vadd.s32 v4, v12;
	v20 =	vshll.u32 v19, $0x3  }
0x6a: {  	v22 =	vshll.u32 v21, $0x3;
	v20 =	vand.u32 $0xFFFFFC00, v20  }
0x6b: {  	v22 =	vand.u32 $0xFFFFFC00, v22;
	v23 =	vand.u32 $0x7F, v19;
	v20 =	vadd.s32 v11, v20  }
0x6c: {  	v22 =	vadd.s32 v11, v22;
	v20 =	vor.u32 v23, v20;
	v23 =	vand.u32 $0x7F, v21  }
0x6d: {  	v20 =	vor.u32 v2, v20;
	v50 =	vld.idx.msk [tilespmem:v17+s3+$0x0], $0xffff;
	v17 =	vor.u32 v23, v22  }
0x6e: {  	v22 =	vor.u32 v2, v17  }
0x6f: {  	v56 =	vadd.s32 v7, v12;
	v23 =	vadd.s32 v5, v12  }
0x70: {  	v28 =	vadd.s32 v8, v12;
	v63 =	vadd.s32 v9, v12;
	v51 =	vshll.u32 v23, $0x3  }
0x71: {  	v17 =	vsel vm4, v14, v13;
	v14 =	vadd.s32 v6, v12;
	v13 =	vand.u32 $0xFFFFFC00, v51  }
0x72: {  	v52 =	vand.u32 $0x7F, v23;
	v53 =	vshll.u32 v14, $0x3;
	v13 =	vadd.s32 v11, v13;
	v20 =	vld.idx.msk [tilespmem:v20+s3+$0x0], $0xffff  }
0x73: {  	v57 =	vshll.u32 v56, $0x3;
	v54 =	vand.u32 $0xFFFFFC00, v53;
	v13 =	vor.u32 v52, v13;
	v22 =	vld.idx.msk [tilespmem:v22+s3+$0x0], $0xffff  }
0x74: {  	v55 =	vand.u32 $0x7F, v14;
	v25 =	vadd.s32 v11, v54;
	v13 =	vor.u32 v2, v13  }
0x75: {  	v60 =	vand.u32 $0x7F, v56;
	v61 =	vshll.u32 v28, $0x3;
	v25 =	vor.u32 v55, v25  }
0x76: {  	v62 =	vand.u32 $0x7F, v28;
	v59 =	vand.u32 $0xFFFFFC00, v57;
	v58 =	vor.u32 v2, v25  }
0x77: {  	vm0 =	veq.f32 v50, v17;
	v25 =	vadd.s32 v11, v59;
	vm2 =	veq.f32 v20, v17  }
0x78: {  	v20 =	vor.u32 v60, v25;
	vm3 =	veq.f32 v22, v17;
	v22 =	vand.u32 $0xFFFFFC00, v61  }
0x79: {  	vm1 =	vne.f32 v50, v17;
	v20 =	vor.u32 v2, v20;
	v13 =	vld.idx.msk [tilespmem:v13+s3+$0x0], $0xffff;
	v22 =	vadd.s32 v11, v22  }
0x7a: {  	vm0 =	vmor vm0, vm2;
	v12 =	vor.u32 v62, v22;
	v22 =	vshll.u32 v63, $0x3  }
0x7b: {  	vm1 =	vmand vm2, vm1;
	v24 =	vld.idx.msk [tilespmem:v58+s3+$0x0], $0xffff;
	vm2 =	vmneg vm0;
	v22 =	vand.u32 $0xFFFFFC00, v22  }
0x7c: {  	v12 =	vor.u32 v2, v12;
	v11 =	vadd.s32 v11, v22;
	v22 =	vand.u32 $0x7F, v63  }
0x7d: {  	v18 =	vsel vm1, v19, v18;
	vm5 =	vmand vm3, vm2;
	v11 =	vor.u32 v22, v11  }
0x7e: {  	vm0 =	vmor vm0, vm3;
	vm6 =	veq.f32 v13, v17;
	v13 =	vld.idx.msk [tilespmem:v20+s3+$0x0], $0xffff;
	v11 =	vor.u32 v2, v11  }
0x7f: {  	v18 =	vsel vm5, v21, v18;
	vm7 =	vmneg vm0;
	vm0 =	vmor vm0, vm6  }
0x80: {  	vm1 =	vmand vm6, vm7;
	vm8 =	veq.f32 v24, v17;
	vm9 =	vmneg vm0  }
0x81: {  	v18 =	vsel vm1, v23, v18;
	vm10 =	vmand vm8, vm9;
	v12 =	vld.idx.msk [tilespmem:v12+s3+$0x0], $0xffff  }
0x82: {  	vm0 =	vmor vm0, vm8;
	v14 =	vsel vm10, v14, v18;
	v18 =	vadd.s32 $0x1, v10  }
0x83: {  	vm2 =	vmneg vm0;
	vm11 =	veq.f32 v13, v17;
	v19 =	vld.idx.msk [tilespmem:v11+s3+$0x0], $0xffff;
	v11 =	vshll.u32 v18, $0x3  }
0x84: {  	v13 =	vand.u32 $0x7F, v18;
	vm0 =	vmor vm0, vm11;
	v11 =	vand.u32 $0x400, v11  }
0x85: {  	vm2 =	vmand vm11, vm2;
	vm13 =	vmneg vm0;
	v11 =	vor.u32 v11, v13  }
0x86: {  	vm12 =	veq.f32 v12, v17;
	v12 =	vand.u32 $0xFF, v18;
	v20 =	vor.u32 v16, v11  }
0x87: {  	v14 =	vsel vm2, v56, v14;
	vm14 =	vmand vm12, vm13;
	v13 =	vadd.s32 $0x1, v12  }
0x88: {  	v18 =	vsel vm14, v28, v14;
	v14 =	vshll.u32 v13, $0x3  }
0x89: {  	vm15 =	vne.f32 v19, v17;
	v19 =	vand.u32 $0x7F, v13;
	v14 =	vand.u32 $0x400, v14  }
0x8a: {  	vm1 =	vmor vm12, vm15;
	v14 =	vor.u32 v14, v19  }
0x8b: {  	v22 =	vand.u32 $0xFF, v13;
	vm0 =	vmor vm0, vm1;
	v23 =	vor.u32 v16, v14;
	v21 =	vld.idx.msk [tilespmem:v20+s3+$0x0], $0xffff  }
0x8c: {  	s24 =	simm.s32 $0xE;
	v18 =	vsel vm0, v18, v63;
	v19 =	vmov v12;
	v20 =	vmov v22  }
.LBB2_6:
0x8d: {  	v24 =	vadd.s32 $0x1, v22;
	p0 =	sne.s32 s24, $0x1;
	s24 =	sadd.s32 $0xFFFFFFFF, s24  }
.Ltmp3:
0x8e: {  	v22 =	vand.u32 $0xFF, v24;
	v26 =	vand.u32 $0x7F, v24;
	v24 =	vshll.u32 v24, $0x3;
	(pc) =	sbr.rel @p0 .LBB2_6-.Ltmp3, $4  }
0x8f: {  	v24 =	vand.u32 $0x400, v24  }
0x90: {  	vm0 =	vgt.f32 v21, v17;
	v25 =	vmov v21;
	v24 =	vor.u32 v24, v26;
	v21 =	vld.idx.msk [tilespmem:v23+s3+$0x0], $0xffff  }
0x91: {  	v17 =	vsel vm0, v25, v17;
	v18 =	vsel vm0, v19, v18;
	v19 =	vmovc v20;
	v23 =	vor.u32 v16, v24  }
0x92: {  	v20 =	vmov v22  }
0x93: {  	_ =	sdelay $0x3  }
0x94: {  	v16 =	vld.idx.msk [tilespmem:v23+s3+$0x0], $0xffff;
	_ =	sdelay $0x2  }
0x95: {  	s22 =	sadd.s32 $0x1, s22;
	vm0 =	vgt.f32 v21, v17  }
0x96: {  	p0 =	sne.s32 s22, $0x8;
	v17 =	vsel vm0, v21, v17  }
.Ltmp4:
0x97: {  	vm1 =	vgt.f32 v16, v17;
	(pc) =	sbr.rel @p0 .LBB2_3-.Ltmp4, $4  }
0x98: {  	v18 =	vsel vm0, v19, v18;
	v16 =	vsel vm1, v16, v17  }
0x99: {  	v17 =	vsel vm1, v20, v18;
	vm15 =	vgt.f32 v16, $0.0e+00  }
0x9a: {  	v16 =	vnsel vm15, $0xFFFFFFFF, v17  }
0x9b: {  	[tilespmem:v15+s23+$0x0 ss:$0x1] =	vst.idx.msk $0xffff, v16  }
0x9c: {  	s21 =	sshll.u32 s19, $0x1;
	p0 =	seq.s32 s19, $0x6  }
0x9d: {  	s22 =	sadd.s32 @!p0 $0x2, s21  }
0x9e: {  	s23 =	smulhi.u32 @!p0 $0x92492493, s22;
	_ =	sdelay $0x1  }
0x9f: {  	s23 =	sshrl.u32 @!p0 s23, $0x2  }
0xa0: {  	s24 =	smul.u32 @!p0 $0x7, s23;
	_ =	sdelay $0x1  }
0xa1: {  	s22 =	ssub.s32 @!p0 s22, s24  }
0xa2: {  	s23 =	sadd.s32 @!p0 s4, s23;
	s22 =	sshll.u32 @!p0 s22, $0xC  }
0xa3: {  	s23 =	sshll.u32 @!p0 s23, $0x10;
	s22 =	sadd.s32 @!p0 s2, s22  }
0xa4: {  	s22 =	sadd.s32 @!p0 s23, s22;
	s23 =	simm.s32 @!p0 $0x0  }
0xa5: {  	[tilespmem:s23], [sflag:$0x1] =	stream.linear.gather @!p0 [hbm4b:s22+s23], $0x8000, $0x38;
	[tilespmem:$0x10700] =	vst v63  }
0xa6: {  	_ =	swait.ge [sflag:s12], $0x8000  }
0xa7: {  	s31 =	sadd.s32 $0x10080, s20;
	[sflag:s12] =	ssyncset.done $0x0  }
0xa8: {  	s20 =	simm.s32 $0x0;
	v15 =	vmov s31;
	s22 =	simm.s32 $0x0;
	[sflag:s12] =	ssyncadd.s32 $0xFFFF8000  }
.LBB2_9:
0xa9: {  	v19 =	vimm.f32 $-Inf;
	v18 =	vimm.s32 $0x0;
	v20 =	vadd.s32 s20, v0  }
0xaa: {  	v21 =	vadd.s32 s20, v3;
	v22 =	vadd.s32 s20, v4;
	v23 =	vadd.s32 s20, v5  }
0xab: {  	s23 =	sshll.u32 s22, $0x4;
	v24 =	vadd.s32 s20, v6;
	v25 =	vadd.s32 s20, v7;
	v26 =	vadd.s32 s20, v8  }
0xac: {  	v27 =	vadd.s32 s20, v9;
	v16 =	vmov s23;
	v28 =	vand.u32 $0x7F, v20  }
0xad: {  	v29 =	vand.u32 $0x7F, v21;
	v30 =	vand.u32 $0x7F, v22;
	v31 =	vand.u32 $0x7F, v23  }
0xae: {  	v32 =	vand.u32 $0x7F, v24;
	v33 =	vand.u32 $0x7F, v25;
	v20 =	vshll.u32 v20, $0x3  }
0xaf: {  	v21 =	vshll.u32 v21, $0x3;
	v34 =	vand.u32 $0x7F, v26;
	v16 =	vshll.u32 v16, $0x8  }
0xb0: {  	v22 =	vshll.u32 v22, $0x3;
	v23 =	vshll.u32 v23, $0x3;
	v16 =	vor.u32 v1, v16  }
0xb1: {  	v24 =	vshll.u32 v24, $0x3;
	v25 =	vshll.u32 v25, $0x3;
	v17 =	vand.u32 $0x7800, v16  }
0xb2: {  	v26 =	vshll.u32 v26, $0x3;
	v20 =	vand.u32 $0xC00, v20;
	v16 =	vor.u32 v2, v17  }
0xb3: {  	v35 =	vshll.u32 v27, $0x3;
	v21 =	vand.u32 $0xC00, v21;
	v20 =	vadd.s32 v16, v20  }
0xb4: {  	v22 =	vand.u32 $0xC00, v22;
	v21 =	vadd.s32 v16, v21;
	v20 =	vor.u32 v28, v20  }
0xb5: {  	v23 =	vand.u32 $0xC00, v23;
	v22 =	vadd.s32 v16, v22;
	v21 =	vor.u32 v29, v21  }
0xb6: {  	v24 =	vand.u32 $0xC00, v24;
	v23 =	vadd.s32 v16, v23;
	v22 =	vor.u32 v30, v22  }
0xb7: {  	v25 =	vand.u32 $0xC00, v25;
	v24 =	vadd.s32 v16, v24;
	v23 =	vor.u32 v31, v23  }
0xb8: {  	v26 =	vand.u32 $0xC00, v26;
	v25 =	vadd.s32 v16, v25;
	v24 =	vor.u32 v32, v24  }
0xb9: {  	v25 =	vor.u32 v33, v25;
	v28 =	vld.idx.msk [tilespmem:v20+s10+$0x0], $0xffff;
	v20 =	vadd.s32 v16, v26;
	v26 =	vand.u32 $0xC00, v35  }
0xba: {  	s24 =	simm.s32 $0x8;
	v29 =	vld.idx.msk [tilespmem:v21+s10+$0x0], $0xffff;
	v21 =	vor.u32 v34, v20;
	v20 =	vand.u32 $0x7F, v27;
	v26 =	vadd.s32 v16, v26  }
0xbb: {  	v60 =	vadd.s32 s24, v4;
	v61 =	vadd.s32 s24, v5;
	v27 =	vld.idx.msk [tilespmem:v22+s10+$0x0], $0xffff;
	v22 =	vor.u32 v20, v26  }
0xbc: {  	v62 =	vadd.s32 s24, v6;
	v36 =	vadd.s32 s24, v8;
	v40 =	vand.u32 $0x7F, v60;
	v31 =	vld.idx.msk [tilespmem:v23+s10+$0x0], $0xffff  }
0xbd: {  	v42 =	vand.u32 $0x7F, v61;
	v30 =	vadd.s32 s24, v3;
	v32 =	vshll.u32 v60, $0x3;
	v63 =	vld.idx.msk [tilespmem:v24+s10+$0x0], $0xffff  }
0xbe: {  	v33 =	vshll.u32 v61, $0x3;
	v39 =	vand.u32 $0x7F, v30;
	v30 =	vshll.u32 v30, $0x3;
	v37 =	vld.idx.msk [tilespmem:v25+s10+$0x0], $0xffff  }
0xbf: {  	v32 =	vand.u32 $0xC00, v32;
	v33 =	vand.u32 $0xC00, v33;
	v30 =	vand.u32 $0xC00, v30;
	v41 =	vld.idx.msk [tilespmem:v21+s10+$0x0], $0xffff  }
0xc0: {  	v24 =	vadd.s32 s24, v7;
	v23 =	vand.u32 $0x7F, v62;
	v25 =	vshll.u32 v36, $0x3;
	v43 =	vld.idx.msk [tilespmem:v22+s10+$0x0], $0xffff  }
0xc1: {  	v34 =	vshll.u32 v62, $0x3;
	v44 =	vshll.u32 v24, $0x3;
	v26 =	vadd.s32 s24, v0  }
0xc2: {  	v20 =	vadd.s32 s24, v9;
	v38 =	vand.u32 $0x7F, v26;
	v26 =	vshll.u32 v26, $0x3  }
0xc3: {  	v34 =	vand.u32 $0xC00, v34;
	v26 =	vand.u32 $0xC00, v26;
	v28 =	vmax.f32 v28, v29  }
0xc4: {  	v29 =	vmax.f32 v63, v37;
	v26 =	vadd.s32 v16, v26;
	v21 =	vand.u32 $0x7F, v24  }
0xc5: {  	v24 =	vshll.u32 v20, $0x3;
	v27 =	vmax.f32 v27, v31;
	v31 =	vmax.f32 v41, v43  }
0xc6: {  	v22 =	vand.u32 $0x7F, v36;
	v27 =	vmax.f32 v28, v27;
	v28 =	vmax.f32 v29, v31  }
0xc7: {  	v29 =	vor.u32 v38, v26;
	v26 =	vadd.s32 v16, v30;
	v31 =	vand.u32 $0xC00, v44  }
0xc8: {  	v30 =	vmax.f32 v27, v28;
	v28 =	vor.u32 v39, v26;
	v26 =	vadd.s32 v16, v32  }
0xc9: {  	vm0 =	vgt.f32 v30, v19;
	v27 =	vor.u32 v40, v26;
	v26 =	vadd.s32 v16, v33  }
0xca: {  	s26 =	simm.s32 $0x10;
	s25 =	simm.s32 $0x0;
	v19 =	vsel vm0, v30, v19;
	v26 =	vor.u32 v42, v26;
	v30 =	vadd.s32 v16, v34  }
.LBB2_10:
0xcb: {  	p1 =	sne.s32 s26, $0xE8;
	v23 =	vor.u32 v23, v30;
	v30 =	vadd.s32 v16, v31;
	v25 =	vand.u32 $0xC00, v25  }
0xcc: {  	v24 =	vand.u32 $0xC00, v24;
	v29 =	vld.idx.msk [tilespmem:v29+s10+$0x0], $0xffff;
	v21 =	vor.u32 v21, v30;
	v25 =	vadd.s32 v16, v25  }
0xcd: {  	v20 =	vand.u32 $0x7F, v20;
	v24 =	vadd.s32 v16, v24;
	v28 =	vld.idx.msk [tilespmem:v28+s10+$0x0], $0xffff;
	v22 =	vor.u32 v22, v25  }
0xce: {  	v18 =	vsel vm0, s25, v18;
	s25 =	smov.u32 s24;
	s24 =	smov.u32 s26;
	v24 =	vor.u32 v20, v24;
	v27 =	vld.idx.msk [tilespmem:v27+s10+$0x0], $0xffff  }
0xcf: {  	v30 =	vadd.s32 s26, v3;
	v25 =	vadd.s32 s26, v0;
	v26 =	vld.idx.msk [tilespmem:v26+s10+$0x0], $0xffff  }
0xd0: {  	v31 =	vadd.s32 s26, v4;
	v32 =	vadd.s32 s26, v5;
	v33 =	vadd.s32 s26, v6;
	v34 =	vld.idx.msk [tilespmem:v23+s10+$0x0], $0xffff  }
0xd1: {  	v35 =	vadd.s32 s26, v7;
	v36 =	vadd.s32 s26, v8;
	v20 =	vadd.s32 s26, v9;
	v37 =	vld.idx.msk [tilespmem:v21+s10+$0x0], $0xffff  }
0xd2: {  	v40 =	vand.u32 $0x7F, v31;
	v39 =	vand.u32 $0x7F, v30;
	v38 =	vand.u32 $0x7F, v25;
	v41 =	vld.idx.msk [tilespmem:v22+s10+$0x0], $0xffff  }
0xd3: {  	v42 =	vand.u32 $0x7F, v32;
	v23 =	vand.u32 $0x7F, v33;
	v21 =	vand.u32 $0x7F, v35;
	v43 =	vld.idx.msk [tilespmem:v24+s10+$0x0], $0xffff  }
0xd4: {  	v30 =	vshll.u32 v30, $0x3;
	v44 =	vshll.u32 v25, $0x3;
	v22 =	vand.u32 $0x7F, v36  }
0xd5: {  	v31 =	vshll.u32 v31, $0x3;
	v32 =	vshll.u32 v32, $0x3;
	v33 =	vshll.u32 v33, $0x3  }
0xd6: {  	v25 =	vshll.u32 v36, $0x3;
	v35 =	vshll.u32 v35, $0x3;
	v24 =	vshll.u32 v20, $0x3  }
0xd7: {  	v31 =	vand.u32 $0xC00, v31;
	v30 =	vand.u32 $0xC00, v30;
	v36 =	vand.u32 $0xC00, v44  }
0xd8: {  	v32 =	vand.u32 $0xC00, v32;
	v33 =	vand.u32 $0xC00, v33;
	v28 =	vmax.f32 v29, v28  }
0xd9: {  	v26 =	vmax.f32 v27, v26;
	v27 =	vmax.f32 v34, v37;
	v29 =	vmax.f32 v41, v43  }
.Ltmp5:
0xda: {  	v26 =	vmax.f32 v28, v26;
	v34 =	vadd.s32 v16, v36;
	v27 =	vmax.f32 v27, v29;
	(pc) =	sbr.rel @p1 .LBB2_10-.Ltmp5, $4  }
0xdb: {  	v28 =	vadd.s32 v16, v30;
	v29 =	vor.u32 v38, v34;
	v26 =	vmax.f32 v26, v27  }
0xdc: {  	v28 =	vor.u32 v39, v28;
	v27 =	vadd.s32 v16, v31;
	vm0 =	vgt.f32 v26, v19  }
0xdd: {  	v30 =	vadd.s32 v16, v32;
	v27 =	vor.u32 v40, v27;
	v19 =	vsel vm0, v26, v19  }
0xde: {  	s26 =	sadd.s32 $0x8, s26;
	v31 =	vand.u32 $0xC00, v35;
	v26 =	vor.u32 v42, v30;
	v30 =	vadd.s32 v16, v33  }
0xdf: {  	_ =	sdelay $0x2  }
0xe0: {  	v23 =	vor.u32 v23, v30;
	v44 =	vadd.s32 v16, v31;
	v25 =	vand.u32 $0xC00, v25  }
0xe1: {  	v29 =	vld.idx.msk [tilespmem:v29+s10+$0x0], $0xffff;
	v24 =	vand.u32 $0xC00, v24;
	v21 =	vor.u32 v21, v44;
	v25 =	vadd.s32 v16, v25  }
0xe2: {  	v28 =	vld.idx.msk [tilespmem:v28+s10+$0x0], $0xffff;
	v20 =	vand.u32 $0x7F, v20;
	v24 =	vadd.s32 v16, v24;
	v22 =	vor.u32 v22, v25  }
0xe3: {  	v45 =	vld.idx.msk [tilespmem:v27+s10+$0x0], $0xffff;
	v20 =	vor.u32 v20, v24  }
0xe4: {  	v46 =	vld.idx.msk [tilespmem:v26+s10+$0x0], $0xffff  }
0xe5: {  	v23 =	vld.idx.msk [tilespmem:v23+s10+$0x0], $0xffff  }
0xe6: {  	v21 =	vld.idx.msk [tilespmem:v21+s10+$0x0], $0xffff  }
0xe7: {  	v22 =	vld.idx.msk [tilespmem:v22+s10+$0x0], $0xffff  }
0xe8: {  	v20 =	vld.idx.msk [tilespmem:v20+s10+$0x0], $0xffff;
	_ =	sdelay $0x3  }
0xe9: {  	v47 =	vmax.f32 v29, v28  }
0xea: {  	v24 =	vmax.f32 v45, v46;
	v21 =	vmax.f32 v23, v21;
	v20 =	vmax.f32 v22, v20  }
0xeb: {  	v22 =	vmax.f32 v47, v24;
	v20 =	vmax.f32 v21, v20  }
0xec: {  	v20 =	vmax.f32 v22, v20  }
0xed: {  	v18 =	vsel vm0, s25, v18;
	vm4 =	vgt.f32 v20, v19  }
0xee: {  	v18 =	vsel vm4, s24, v18  }
0xef: {  	v21 =	vadd.s32 v0, v18  }
0xf0: {  	v23 =	vadd.s32 v3, v18;
	v51 =	vadd.s32 v4, v18;
	v54 =	vadd.s32 v5, v18  }
0xf1: {  	v56 =	vadd.s32 v6, v18;
	v60 =	vadd.s32 v7, v18;
	v33 =	vadd.s32 v8, v18  }
0xf2: {  	v22 =	vshll.u32 v21, $0x3;
	v48 =	vshll.u32 v23, $0x3;
	v49 =	vand.u32 $0x7F, v21  }
0xf3: {  	v50 =	vand.u32 $0x7F, v23;
	v52 =	vshll.u32 v51, $0x3;
	v53 =	vand.u32 $0x7F, v51  }
0xf4: {  	v55 =	vshll.u32 v54, $0x3;
	v57 =	vshll.u32 v56, $0x3;
	v58 =	vand.u32 $0x7F, v54  }
0xf5: {  	v59 =	vand.u32 $0x7F, v56;
	v22 =	vand.u32 $0xFFFFFC00, v22;
	v24 =	vand.u32 $0xFFFFFC00, v48  }
0xf6: {  	v25 =	vand.u32 $0xFFFFFC00, v52;
	v26 =	vand.u32 $0xFFFFFC00, v55;
	v22 =	vadd.s32 v17, v22  }
0xf7: {  	v30 =	vand.u32 $0xFFFFFC00, v57;
	v24 =	vadd.s32 v17, v24;
	v22 =	vor.u32 v49, v22  }
0xf8: {  	v25 =	vadd.s32 v17, v25;
	v24 =	vor.u32 v50, v24;
	v22 =	vor.u32 v2, v22  }
0xf9: {  	v26 =	vadd.s32 v17, v26;
	v25 =	vor.u32 v53, v25;
	v24 =	vor.u32 v2, v24  }
0xfa: {  	v30 =	vadd.s32 v17, v30;
	v26 =	vor.u32 v58, v26;
	v25 =	vor.u32 v2, v25  }
0xfb: {  	v18 =	vadd.s32 v9, v18;
	v30 =	vor.u32 v59, v30;
	v26 =	vor.u32 v2, v26  }
0xfc: {  	v32 =	vshll.u32 v60, $0x3;
	v34 =	vand.u32 $0x7F, v60;
	v30 =	vor.u32 v2, v30  }
0xfd: {  	v35 =	vshll.u32 v33, $0x3;
	v36 =	vand.u32 $0x7F, v33;
	v37 =	vshll.u32 v18, $0x3;
	v22 =	vld.idx.msk [tilespmem:v22+s10+$0x0], $0xffff  }
0xfe: {  	v63 =	vand.u32 $0x7F, v18;
	v32 =	vand.u32 $0xFFFFFC00, v32;
	v35 =	vand.u32 $0xFFFFFC00, v35;
	v24 =	vld.idx.msk [tilespmem:v24+s10+$0x0], $0xffff  }
0xff: {  	v62 =	vand.u32 $0xFFFFFC00, v37;
	v32 =	vadd.s32 v17, v32;
	v35 =	vadd.s32 v17, v35;
	v25 =	vld.idx.msk [tilespmem:v25+s10+$0x0], $0xffff  }
0x100: {  	v17 =	vadd.s32 v17, v62;
	v32 =	vor.u32 v34, v32;
	v61 =	vor.u32 v36, v35;
	v26 =	vld.idx.msk [tilespmem:v26+s10+$0x0], $0xffff  }
0x101: {  	v35 =	vor.u32 v63, v17;
	v17 =	vsel vm4, v20, v19;
	v32 =	vor.u32 v2, v32;
	v20 =	vld.idx.msk [tilespmem:v30+s10+$0x0], $0xffff;
	_ =	sdelay $0x1  }
0x102: {  	v34 =	vor.u32 v2, v61  }
0x103: {  	v19 =	vor.u32 v2, v35;
	vm0 =	veq.f32 v22, v17  }
0x104: {  	vm1 =	vne.f32 v22, v17;
	vm2 =	veq.f32 v24, v17;
	vm5 =	veq.f32 v25, v17  }
0x105: {  	v22 =	vld.idx.msk [tilespmem:v32+s10+$0x0], $0xffff;
	vm6 =	veq.f32 v26, v17;
	vm8 =	veq.f32 v20, v17;
	vm0 =	vmor vm0, vm2  }
0x106: {  	vm1 =	vmand vm2, vm1;
	vm2 =	vmneg vm0;
	vm0 =	vmor vm0, vm5  }
0x107: {  	v21 =	vsel vm1, v23, v21;
	v23 =	vld.idx.msk [tilespmem:v34+s10+$0x0], $0xffff;
	vm2 =	vmand vm5, vm2;
	vm7 =	vmneg vm0  }
0x108: {  	v19 =	vld.idx.msk [tilespmem:v19+s10+$0x0], $0xffff;
	vm0 =	vmor vm0, vm6;
	v21 =	vsel vm2, v51, v21;
	vm1 =	vmand vm6, vm7  }
0x109: {  	vm3 =	vmneg vm0;
	vm0 =	vmor vm0, vm8;
	v20 =	vsel vm1, v54, v21  }
0x10a: {  	vm9 =	vmand vm8, vm3;
	vm10 =	veq.f32 v22, v17;
	vm11 =	vmneg vm0  }
0x10b: {  	v21 =	vor.u32 v16, v11;
	v20 =	vsel vm9, v56, v20;
	vm0 =	vmor vm0, vm10  }
0x10c: {  	vm12 =	vmand vm10, vm11;
	vm13 =	veq.f32 v23, v17;
	vm14 =	vmneg vm0  }
0x10d: {  	vm4 =	vne.f32 v19, v17;
	v19 =	vsel vm12, v60, v20;
	vm15 =	vmand vm13, vm14  }
0x10e: {  	v19 =	vsel vm15, v33, v19  }
0x10f: {  	vm2 =	vmor vm13, vm4  }
0x110: {  	v22 =	vand.u32 $0xFF, v13;
	v23 =	vor.u32 v16, v14;
	vm0 =	vmor vm0, vm2;
	v21 =	vld.idx.msk [tilespmem:v21+s10+$0x0], $0xffff  }
0x111: {  	s24 =	simm.s32 $0xE;
	v20 =	vmov v22;
	v18 =	vsel vm0, v19, v18;
	v19 =	vmov v12  }
.LBB2_12:
0x112: {  	v24 =	vadd.s32 $0x1, v22;
	p1 =	sne.s32 s24, $0x1;
	s24 =	sadd.s32 $0xFFFFFFFF, s24  }
.Ltmp6:
0x113: {  	v22 =	vand.u32 $0xFF, v24;
	v26 =	vand.u32 $0x7F, v24;
	v24 =	vshll.u32 v24, $0x3;
	(pc) =	sbr.rel @p1 .LBB2_12-.Ltmp6, $4  }
0x114: {  	v24 =	vand.u32 $0x400, v24  }
0x115: {  	vm0 =	vgt.f32 v21, v17;
	v25 =	vmov v21;
	v24 =	vor.u32 v24, v26;
	v21 =	vld.idx.msk [tilespmem:v23+s10+$0x0], $0xffff  }
0x116: {  	v17 =	vsel vm0, v25, v17;
	v18 =	vsel vm0, v19, v18;
	v19 =	vmovc v20;
	v23 =	vor.u32 v16, v24  }
0x117: {  	v20 =	vmov v22  }
0x118: {  	_ =	sdelay $0x3  }
0x119: {  	v16 =	vld.idx.msk [tilespmem:v23+s10+$0x0], $0xffff;
	_ =	sdelay $0x2  }
0x11a: {  	s22 =	sadd.s32 $0x1, s22;
	vm0 =	vgt.f32 v21, v17  }
0x11b: {  	p1 =	sne.s32 s22, $0x8;
	v17 =	vsel vm0, v21, v17  }
.Ltmp7:
0x11c: {  	vm1 =	vgt.f32 v16, v17;
	(pc) =	sbr.rel @p1 .LBB2_9-.Ltmp7, $4  }
0x11d: {  	v18 =	vsel vm0, v19, v18;
	v16 =	vsel vm1, v16, v17  }
0x11e: {  	v17 =	vsel vm1, v20, v18;
	vm15 =	vgt.f32 v16, $0.0e+00  }
0x11f: {  	v16 =	vnsel vm15, $0xFFFFFFFF, v17  }
0x120: {  	[tilespmem:v15+s23+$0x0 ss:$0x1] =	vst.idx.msk $0xffff, v16  }
.Ltmp8:
0x121: {  	(pc) =	sbr.rel @p0 .LBB2_16-.Ltmp8, $1  }
0x122: {  	_ =	sdelay $0x3  }
0x123: {  	s20 =	sadd.s32 $0x3, s21  }
0x124: {  	s21 =	smulhi.u32 $0x92492493, s20;
	_ =	sdelay $0x1  }
0x125: {  	s21 =	sshrl.u32 s21, $0x2  }
0x126: {  	s22 =	smul.u32 $0x7, s21;
	_ =	sdelay $0x1  }
.Ltmp9:
0x127: {  	s20 =	ssub.s32 s20, s22;
	(pc) =	sbr.rel .LBB2_2-.Ltmp9, $4  }
0x128: {  	s21 =	sadd.s32 s4, s21;
	s20 =	sshll.u32 s20, $0xC  }
0x129: {  	s21 =	sshll.u32 s21, $0x10;
	s20 =	sadd.s32 s2, s20  }
0x12a: {  	s19 =	sadd.s32 $0x1, s19;
	s20 =	sadd.s32 s21, s20  }
0x12b: {  	[tilespmem:s10], [sflag:$0x2] =	stream.linear.gather [hbm4b:s20+s3], $0x8000, $0x38;
	[tilespmem:$0x10700] =	vst v63  }
.LBB2_17:
0x12c: {  	_ =	sfence.sel $0x180000  }
0x12d: {  	[bflag:$0x0] =	sbarrier.arrive $0xFFFF  }
0x12e: {  	p0 =	sne.s32 s1, $0x0;
	_ =	strace $0x90000047  }
0x12f: {  	s0 =	sadd.s32 @!p0 $0x100000, s0;
	[bflag:$0x2] =	sbarrier.arrive $0xFFFF  }
0x130: {  	[sflag:s0] =	ssyncadd.tile.s32 @!p0 $0x1;
	_ =	shalt  }
.Lfunc_end2:
_tile_overlayer_lowered:
.L_overlay_start_2:
0x131: {  	(tag) =	ssettag $0x2  }
0x132: {  	s0 =	rddreg [dreg:$0x0];
	s2 =	stileid.u32  }
0x133: {  	s1 =	rddreg [dreg:$0x1];
	p0 =	sne.s32 s2, $0x0  }
0x134: {  	s3 =	rddreg [dreg:$0x2];
	[bflag:$0x3] =	sbarrier.arrive $0xFFFF;
	s2 =	simm.s32 @!p0 $0x1C03  }
0x135: {  	[timem:s3], [sflag:s2] =	dma.local @!p0 [hbm:s0], s1  }
0x136: {  	s0 =	simm.s32 @!p0 $0x3  }
0x137: {  	_ =	swait.ge @!p0 [sflag:s0], s1  }
0x138: {  	s1 =	ssub.s32 @!p0 $0x0, s1;
	[sflag:s0] =	ssyncset.done @!p0 $0x0  }
0x139: {  	[sflag:s0] =	ssyncadd.s32 @!p0 s1  }
0x13a: {  	[bflag:$0x3] =	sbarrier.arrive $0xFFFF  }
0x13b: {  	_ =	shalt  }

// kernel: kernel.9.cloned.1.call-start
scs
__scs_entry_jumppad:
0x0: {  	(pc) =	sbr.rel $0x88, $3  }
0x1: {  	(tag) =	ssettag $0x0;
	lr =	simm.s32 $0x1  }
0x2: {  	[smem:$0x3F9F] =	sst lr;
	_ =	strace $0xD0000000  }
0x3: {  	_ = 	snop  }
0x4: {  	_ = 	snop  }
0x5: {  	_ = 	snop  }
0x6: {  	_ = 	snop  }
0x7: {  	_ = 	snop  }
__scs_overlays_trampoline_lowered:
0x8: {  	[smem:$0x3FAE] =	sst s0  }
0x9: {  	[smem:$0x3FAF] =	sst s1  }
0xa: {  	[smem:$0x3FB0] =	sst s2  }
0xb: {  	[smem:$0x3FB1] =	sst s3  }
0xc: {  	[smem:$0x3FB2] =	sst s4  }
0xd: {  	[smem:$0x3FB3] =	sst s5  }
0xe: {  	[smem:$0x3FB4] =	sst s6  }
0xf: {  	[smem:$0x3FB5] =	sst s7  }
0x10: {  	[smem:$0x3FB6] =	sst s8  }
0x11: {  	[smem:$0x3FB7] =	sst s9;
	s0 =	simm.s32 @!p0 $0x0  }
0x12: {  	s1 =	sld [smem:$0x3F9D];
	s0 =	simm.s32 @p0 $0x1  }
0x13: {  	[smem:$0x3FB8] =	sst s0;
	s0 =	simm.s32 @!p1 $0x0  }
0x14: {  	s2 =	sld [smem:$0x3F9C];
	s0 =	simm.s32 @p1 $0x1  }
0x15: {  	[smem:$0x3FB9] =	sst s0;
	s0 =	simm.s32 @!p2 $0x0  }
0x16: {  	s3 =	sld [smem:$0x3FDB];
	s0 =	simm.s32 @p2 $0x1  }
0x17: {  	s4 =	simm.s32 $0x1BF5;
	[smem:$0x3FBB] =	sst s0  }
0x18: {  	s0 =	sld [smem:$0x3F9E];
	_ =	swait.ge [sflag:s4], $0x0  }
0x19: {  	s7 =	sld [smem:$0x3F9F]  }
0x1a: {  	s8 =	sadd.s32 $0xFFFFE003, lr  }
0x1b: {  	s9 =	sadd.s32 $0xFFFFFEF7, lr;
	s5 =	simm.s32 $0xFFFFFFFF;
	p2 =	slt.u32 s8, $0xFFFFF086  }
0x1c: {  	p1 =	slt.u32 s9, $0xF7A;
	s5 =	simm.s32 @!p2 $0x0  }
0x1d: {  	s5 =	simm.s32 @p1 $0x1;
	p0 =	seq.s32 s7, s2  }
0x1e: {  	s7 =	smul.u32 @!p0 $0xF7A, s2;
	p2 =	seq.s32 @!p0 s5, $0x0  }
0x1f: {  	s9 =	smul.u32 $0xF7A, s1;
	s8 =	simm.s32 @!p0 $0x1BF5;
	p2 =	por !p2, p0  }
0x20: {  	[sflag:s8] =	ssyncset.s32 @!p0 $0xFFFFF086;
	s6 =	sadd.s32 @!p0 s3, s7;
	s7 =	simm.s32 @!p0 $0x108  }
0x21: {  	s3 =	sadd.s32 s3, s9;
	s6 =	sadd.s32 @!p0 $0x88, s6;
	s7 =	simm.s32 @p2 $0x1082  }
0x22: {  	[simem:s7], [sflag:s8] =	dma.local @!p0 [hbm:s6], $0xF7A  }
0x23: {  	s9 =	sor.u32 $0xD0000000, s2;
	s6 =	simm.s32 $0x108;
	_ =	swait.ge @!p0 [sflag:s8], $0x0  }
0x24: {  	s3 =	sadd.s32 $0x88, s3;
	s6 =	simm.s32 @!p1 $0x1082;
	[sflag:s4] =	ssyncset.s32 $0xFFFFF086  }
0x25: {  	[simem:s6], [sflag:s4] =	dma.local [hbm:s3], $0xF7A  }
0x26: {  	[smem:$0x3F9F] =	sst s1;
	(tag) =	ssettag s2;
	_ =	strace s9  }
0x27: {  	s1 =	sld [smem:$0x3FAF]  }
0x28: {  	s2 =	sld [smem:$0x3FB0]  }
0x29: {  	s4 =	sld [smem:$0x3FB2]  }
0x2a: {  	p0 =	seq.s32 s5, $0x0;
	s5 =	sld [smem:$0x3FB3]  }
0x2b: {  	s6 =	sld [smem:$0x3FB4]  }
0x2c: {  	s7 =	sld [smem:$0x3FB5]  }
0x2d: {  	s3 =	simm.s32 $0x108;
	s8 =	sld [smem:$0x3FB6]  }
0x2e: {  	s3 =	simm.s32 @!p0 $0x1082;
	s9 =	sld [smem:$0x3FB7]  }
0x2f: {  	lr =	sadd.s32 s0, s3;
	s0 =	sld [smem:$0x3FAE]  }
0x30: {  	s3 =	sld [smem:$0x3FB1]  }
0x31: {  	[smem:$0x3FBA] =	sst s10  }
0x32: {  	s10 =	sld [smem:$0x3FB8];
	_ =	sdelay $0x3  }
0x33: {  	p0 =	seq.s32 s10, $0x1;
	s10 =	sld [smem:$0x3FBA];
	_ =	sdelay $0x3  }
0x34: {  	[smem:$0x3FBA] =	sst s10  }
0x35: {  	s10 =	sld [smem:$0x3FB9];
	_ =	sdelay $0x3  }
0x36: {  	p1 =	seq.s32 s10, $0x1;
	s10 =	sld [smem:$0x3FBA];
	_ =	sdelay $0x3  }
0x37: {  	[smem:$0x3FBA] =	sst s10  }
0x38: {  	s10 =	sld [smem:$0x3FBB]  }
0x39: {  	_ = 	snop;
	(pc) =	sbr.ind lr, $3  }
0x3a: {  	_ = 	snop  }
0x3b: {  	_ = 	snop  }
0x3c: {  	p2 =	seq.s32 s10, $0x1;
	s10 =	sld [smem:$0x3FBA]  }
0x3d: {  	_ =	shalt  }
0x3e: {  	_ =	shalt  }
0x3f: {  	_ =	shalt  }
0x40: {  	_ =	shalt  }
0x41: {  	_ =	shalt  }
0x42: {  	_ =	shalt  }
0x43: {  	_ =	shalt  }
0x44: {  	_ =	shalt  }
0x45: {  	_ =	shalt  }
0x46: {  	_ =	shalt  }
0x47: {  	_ =	shalt  }
0x48: {  	_ =	shalt  }
0x49: {  	_ =	shalt  }
0x4a: {  	_ =	shalt  }
0x4b: {  	_ =	shalt  }
0x4c: {  	_ =	shalt  }
0x4d: {  	_ =	shalt  }
0x4e: {  	_ =	shalt  }
0x4f: {  	_ =	shalt  }
0x50: {  	_ =	shalt  }
0x51: {  	_ =	shalt  }
0x52: {  	_ =	shalt  }
0x53: {  	_ =	shalt  }
0x54: {  	_ =	shalt  }
0x55: {  	_ =	shalt  }
0x56: {  	_ =	shalt  }
0x57: {  	_ =	shalt  }
0x58: {  	_ =	shalt  }
0x59: {  	_ =	shalt  }
0x5a: {  	_ =	shalt  }
0x5b: {  	_ =	shalt  }
0x5c: {  	_ =	shalt  }
0x5d: {  	_ =	shalt  }
0x5e: {  	_ =	shalt  }
0x5f: {  	_ =	shalt  }
0x60: {  	_ =	shalt  }
0x61: {  	_ =	shalt  }
0x62: {  	_ =	shalt  }
0x63: {  	_ =	shalt  }
0x64: {  	_ =	shalt  }
0x65: {  	_ =	shalt  }
0x66: {  	_ =	shalt  }
0x67: {  	_ =	shalt  }
0x68: {  	_ =	shalt  }
0x69: {  	_ =	shalt  }
0x6a: {  	_ =	shalt  }
0x6b: {  	_ =	shalt  }
0x6c: {  	_ =	shalt  }
0x6d: {  	_ =	shalt  }
0x6e: {  	_ =	shalt  }
0x6f: {  	_ =	shalt  }
0x70: {  	_ =	shalt  }
0x71: {  	_ =	shalt  }
0x72: {  	_ =	shalt  }
0x73: {  	_ =	shalt  }
0x74: {  	_ =	shalt  }
0x75: {  	_ =	shalt  }
0x76: {  	_ =	shalt  }
0x77: {  	_ =	shalt  }
0x78: {  	_ =	shalt  }
0x79: {  	_ =	shalt  }
0x7a: {  	_ =	shalt  }
0x7b: {  	_ =	shalt  }
0x7c: {  	_ =	shalt  }
0x7d: {  	_ =	shalt  }
0x7e: {  	_ =	shalt  }
0x7f: {  	_ =	shalt  }
0x80: {  	_ =	shalt  }
0x81: {  	_ =	shalt  }
0x82: {  	_ =	shalt  }
0x83: {  	_ =	shalt  }
0x84: {  	_ =	shalt  }
0x85: {  	_ =	shalt  }
0x86: {  	_ =	shalt  }
0x87: {  	_ =	shalt  }
.Lfunc_end0:
.L_simem_size_0:
called_computation.1_lowered:
.L_overlay_start_0:
0x88: {  	s2 =	sld [smem:$0x3FD9]  }
0x89: {  	s3 =	sld [smem:$0x3FFE];
	_ =	sdelay $0x1  }
0x8a: {  	s1 =	srdreg.scid  }
0x8b: {  	s0 =	sand.u32 $0x1, s1  }
0x8c: {  	s14 =	sshll.u32 s0, $0xA;
	s2 =	sadd.s32 s3, s2  }
0x8d: {  	s2 =	sadd.s32 s2, s14  }
0x8e: {  	[smem:$0x3FC6] =	sst s2  }
0x8f: {  	_ = 	snop  }
0x90: {  	s2 =	sld [smem:$0x3FD0];
	_ =	sdelay $0x2  }
0x91: {  	s15 =	simm.s32 $0xA;
	s4 =	simm.s32 $0x10  }
0x92: {  	[smem:s4], [sflag:s15] =	dma.local [hbm:s2], $0x1  }
0x93: {  	_ =	swait.eq [sflag:s15], $0x1  }
0x94: {  	[sflag:s15] =	ssyncset.done $0x0  }
0x95: {  	s16 =	sld [smem:$0x10];
	[sflag:s15] =	ssyncadd.s32 $0xFFFFFFFF  }
0x96: {  	s17 =	sld [smem:$0x11];
	(tm) =	ssettm $0x1  }
0x97: {  	s18 =	sld [smem:$0x3FFB];
	_ =	sdelay $0x3  }
0x98: {  	_ =	strace s18  }
0x99: {  	s4 =	sld [smem:$0x3FFC];
	_ =	sdelay $0x3  }
0x9a: {  	_ =	strace s4  }
0x9b: {  	s4 =	sld [smem:$0x3FFD];
	_ =	sdelay $0x3  }
0x9c: {  	_ =	strace s4  }
0x9d: {  	_ =	strace $0x8FFFFFFF  }
0x9e: {  	s19 =	sld [smem:$0x3FDB];
	_ =	sdelay $0x1  }
0x9f: {  	s5 =	simm.s32 $_scs_section_size  }
0xa0: {  	s6 =	simm.s32 $_size__tile_overlayer_lowered;
	s7 =	simm.s32 $_tile_overlayer_lowered  }
0xa1: {  	s22 =	simm.s32 $0x1BFF;
	s21 =	sshll.u32 s7, $0x1;
	s4 =	sadd.s32 s5, s19  }
0xa2: {  	s8 =	simm.s32 $0x0;
	s20 =	sshll.u32 s6, $0x1;
	s6 =	sadd.s32 s21, s4  }
0xa3: {  	[timem:s8], [sflag:s22] =	dma.local [hbm:s6], s20  }
0xa4: {  	_ =	swait.ge [sflag:s22], s20  }
0xa5: {  	s5 =	ssub.s32 $0x0, s20;
	[sflag:s22] =	ssyncset.done $0x0  }
0xa6: {  	[sflag:s22] =	ssyncadd.s32 s5;
	_ =	sdelay $0x1  }
0xa7: {  	s23 =	simm.s32 $0x1B8B  }
0xa8: {  	_ =	swait.ge [sflag:s23], $0x1  }
0xa9: {  	[sflag:s23] =	ssyncset.done $0x0  }
0xaa: {  	s25 =	simm.s32 $0x1B8E;
	s24 =	sld [smem:$0x3FFE];
	[sflag:s23] =	ssyncadd.s32 $0xFFFFFFFF  }
0xab: {  	s26 =	simm.s32 $execute0_lowered;
	[smem:$0x3FD2] =	sst s25  }
0xac: {  	s6 =	sshll.u32 s26, $0x1;
	_ =	strace $0x80000049;
	[dreg:$0x1] =	wrdreg $0xFFFFFFFF  }
0xad: {  	s28 =	simm.s32 $_size_execute0_lowered;
	s4 =	sadd.s32 s4, s6;
	[dreg:$0x0] =	wrdreg $0x0  }
0xae: {  	s6 =	sshll.u32 s28, $0x1;
	[dreg:$0x2] =	wrdreg s4  }
0xaf: {  	[dreg:$0x3] =	wrdreg s6  }
0xb0: {  	[dreg:$0x4] =	wrdreg $0xC0  }
0xb1: {  	_ =	task [dreg:s8], $0x5FFFF  }
0xb2: {  	[dreg:$0x1] =	wrdreg $0xFFFFFFFF  }
0xb3: {  	[dreg:$0x0] =	wrdreg $0x60  }
0xb4: {  	[dreg:$0x2] =	wrdreg s24  }
0xb5: {  	[dreg:$0x3] =	wrdreg s17  }
0xb6: {  	[dreg:$0x4] =	wrdreg s16  }
0xb7: {  	[dreg:$0x5] =	wrdreg $0x9  }
0xb8: {  	_ =	task.clear_ibuf [dreg:s8], $0x6FFFF;
	_ =	strace $0x90000049  }
0xb9: {  	s29 =	simm.s32 $0x9;
	_ =	strace $0x8000004B  }
0xba: {  	_ =	swait.ge [sflag:s29], $0x1  }
0xbb: {  	[sflag:s29] =	ssyncadd.s32 $0xFFFFFFFF  }
0xbc: {  	_ =	strace $0x9000004B  }
0xbd: {  	_ =	sfence  }
0xbe: {  	s30 =	sld [smem:$0x0];
	_ =	sdelay $0x2  }
0xbf: {  	s31 =	sshll.u32 s1, $0xD;
	s1 =	sshrl.u32 s1, $0x2  }
0xc0: {  	s3 =	sand.u32 $0x4000, s31;
	s1 =	sadd.s32 s1, s30  }
0xc1: {  	s0 =	sor.u32 s3, s0;
	s1 =	sshll.u32 s1, $0x11  }
0xc2: {  	s0 =	sor.u32 s1, s0  }
0xc3: {  	s0 =	sadd.s32 $0x8F2B, s0  }
0xc4: {  	[sflag:s0] =	ssyncadd.remote.s32 $0x1  }
0xc5: {  	_ =	sfence.sel $0xFFFF  }
0xc6: {  	[dreg:$0x0] =	wrdreg $0xFFFFFFFF;
	(pc) =	sbr.abs _section_cstart, $3  }
0xc7: {  	[dreg:$0x1] =	wrdreg $0xFFFFFFFF  }
0xc8: {  	_ =	task.clear_ibuf [dreg:s8], $0x2FFFF;
	_ =	strace $0x9FFFFFFF  }
0xc9: {  	(tm) =	ssettm $0x7FFFFFFF  }
tec
execute0_lowered:
.L_overlay_start_1:
0x0: {  	(tag) =	ssettag $0x1  }
0x1: {  	s0 =	rddreg [dreg:$0x0]  }
0x2: {  	s8 =	rddreg [dreg:$0x1]  }
0x3: {  	s12 =	rddreg [dreg:$0x2]  }
0x4: {  	s2 =	simm.s32 $0x0;
	s3 =	srdreg.scid;
	s1 =	stileid.u32  }
0x5: {  	s19 =	simm.s32 $0x800;
	s28 =	simm.s32 $0x7000;
	s29 =	simm.s32 $0x0  }
0x6: {  	[smem:$0x7FF] =	sst s2;
	s3 =	sand.u32 $0x1, s3;
	s4 =	sshll.u32 s1, $0x1  }
0x7: {  	s7 =	sshrl.u32 s1, $0x1;
	s6 =	sadd.s32 $0x1200, s0;
	s10 =	sadd.s32 $0x2E00, s0  }
0x8: {  	s13 =	sadd.s32 $0x5400, s0;
	_ =	strace $0x8000004A;
	s9 =	smul.u32 $0x1C00, s7  }
0x9: {  	s4 =	sor.u32 s3, s4;
	s3 =	ssub.s32 $0x2, s3;
	s15 =	smul.u32 $0x2400, s7  }
0xa: {  	s16 =	sshll.u32 s7, $0x10;
	s24 =	sshll.u32 s7, $0xE;
	s5 =	sshll.u32 s4, $0x8  }
0xb: {  	s4 =	sshll.u32 s4, $0x4;
	s14 =	sshrl.u32 s3, $0x1;
	s11 =	sand.u32 $0x300, s5  }
0xc: {  	s0 =	sadd.s32 s4, s0;
	s14 =	ssub.s32 s3, s14;
	s5 =	sor.u32 s9, s11  }
0xd: {  	s20 =	sor.u32 s15, s11;
	s17 =	sor.u32 $0x80, s11;
	s21 =	sor.u32 s16, s11  }
0xe: {  	s25 =	sor.u32 s24, s11;
	s14 =	smax.u32 s14, $0x1;
	s5 =	sshrl.u32 s5, $0x3  }
0xf: {  	s4 =	sshrl.u32 s20, $0x3;
	s9 =	sor.u32 s9, s17;
	s18 =	sshrl.u32 s21, $0x3  }
0x10: {  	s22 =	sor.u32 s15, s17;
	s23 =	sor.u32 s16, s17;
	s26 =	sshrl.u32 s25, $0x3  }
0x11: {  	s30 =	sor.u32 s24, s17;
	s16 =	simm.s32 $0x400;
	s17 =	simm.s32 $0x380  }
0x12: {  	s20 =	simm.s32 $0xB80;
	s21 =	simm.s32 $0x3000;
	s24 =	simm.s32 $0x9000  }
0x13: {  	s25 =	simm.s32 $0x3;
	s3 =	sadd.s32 s6, s5;
	s4 =	sadd.s32 s10, s4  }
0x14: {  	s9 =	sshrl.u32 s9, $0x3;
	s5 =	sadd.s32 s8, s18;
	s15 =	sshrl.u32 s23, $0x3  }
0x15: {  	s31 =	sshrl.u32 s30, $0x3;
	s11 =	sadd.s32 s13, s18;
	s18 =	simm.s32 $0x1000  }
0x16: {  	s23 =	simm.s32 $0x2;
	s6 =	sadd.s32 s6, s9;
	s9 =	sshrl.u32 s22, $0x3  }
0x17: {  	v1 =	vlaneseq.u32;
	s8 =	sadd.s32 s8, s15;
	s13 =	sadd.s32 s13, s15;
	s15 =	simm.s32 $0x80  }
0x18: {  	v0 =	vimm.f32 $0.0e+00;
	v1 =	vshrl.u32 v1, $0x2;
	s22 =	simm.s32 $0x1;
	s7 =	sadd.s32 s10, s9;
	s9 =	sadd.s32 $0x5200, s0  }
0x19: {  	v2 =	vor.u32 $0x4, v1;
	v3 =	vor.u32 $0x8, v1;
	v4 =	vor.u32 $0xC, v1;
	s10 =	sadd.s32 s12, s26;
	s12 =	sadd.s32 s12, s31;
	s26 =	simm.s32 $0x5000  }
.LBB2_1:
0x1a: {  	[tilespmem:s2], [sflag:$0x1] =	stream.strided.gather [hbm4b:s3+s15], $0x380, s16, s15, $0x38;
	[tilespmem:$0x9080] =	vst v63  }
0x1b: {  	_ = 	snop  }
0x1c: {  	[tilespmem:s17], [sflag:$0x1] =	stream.strided.gather [hbm4b:s4+s15], $0x480, s16, s15, $0x38;
	[tilespmem:$0x9080] =	vst v63  }
0x1d: {  	_ = 	snop  }
0x1e: {  	[tilespmem:s18], [sflag:$0x2] =	stream.strided.gather [hbm4b:s5+s15], $0x2000, s16, s15, $0x38;
	[tilespmem:$0x9080] =	vst v63  }
0x1f: {  	_ = 	snop  }
0x20: {  	[tilespmem:s19], [sflag:$0x1] =	stream.strided.gather [hbm4b:s6+s15], $0x380, s16, s15, $0x38;
	[tilespmem:$0x9080] =	vst v63  }
0x21: {  	_ = 	snop  }
0x22: {  	[tilespmem:s20], [sflag:$0x1] =	stream.strided.gather [hbm4b:s7+s15], $0x480, s16, s15, $0x38;
	[tilespmem:$0x9080] =	vst v63  }
0x23: {  	_ = 	snop  }
0x24: {  	[tilespmem:s21], [sflag:$0x2] =	stream.strided.gather [hbm4b:s8+s15], $0x2000, s16, s15, $0x38;
	[tilespmem:$0x9080] =	vst v63  }
0x25: {  	_ =	swait.ge [sflag:s22], $0x380  }
0x26: {  	[sflag:s22] =	ssyncset.done $0x0  }
0x27: {  	[sflag:s22] =	ssyncadd.s32 $0xFFFFFC80  }
0x28: {  	_ =	swait.ge [sflag:s22], $0x480  }
0x29: {  	[sflag:s22] =	ssyncset.done $0x0  }
0x2a: {  	[sflag:s22] =	ssyncadd.s32 $0xFFFFFB80  }
0x2b: {  	_ =	swait.ge [sflag:s23], $0x2000  }
0x2c: {  	[sflag:s23] =	ssyncset.done $0x0  }
0x2d: {  	[sflag:s23] =	ssyncadd.s32 $0xFFFFE000  }
0x2e: {  	_ =	swait.ge [sflag:s22], $0x380  }
0x2f: {  	[sflag:s22] =	ssyncset.done $0x0  }
0x30: {  	[sflag:s22] =	ssyncadd.s32 $0xFFFFFC80  }
0x31: {  	_ =	swait.ge [sflag:s22], $0x480  }
0x32: {  	[sflag:s22] =	ssyncset.done $0x0  }
0x33: {  	[sflag:s22] =	ssyncadd.s32 $0xFFFFFB80  }
0x34: {  	_ =	swait.ge [sflag:s23], $0x2000  }
0x35: {  	[sflag:s23] =	ssyncset.done $0x0  }
0x36: {  	[sflag:s23] =	ssyncadd.s32 $0xFFFFE000  }
0x37: {  	v5 =	vld [tilespmem:s2+$0x0];
	_ =	sdelay $0x4  }
0x38: {  	vm0 =	vgt.s32 v5, $0xFFFFFFFF  }
0x39: {  	v5 =	vsel vm0, $0x3F800000, v0  }
0x3a: {  	[tilespmem:$0x9000] =	vst v5  }
0x3b: {  	s31 =	simm.s32 $0x0;
	v6 =	vld.idx.msk [tilespmem:v1+s24+$0x0], $0xffff  }
0x3c: {  	v7 =	vld [tilespmem:s31+$0x1000];
	_ =	sdelay $0x3  }
0x3d: {  	vm12 =	vgt.f32 v6, $0.0e+00  }
0x3e: {  	v7 =	vnsel vm12, $0x0, v7  }
0x3f: {  	[tilespmem:s31+$0x5000] =	vst v7  }
0x40: {  	v7 =	vld.idx.msk [tilespmem:v2+s24+$0x0], $0xffff  }
0x41: {  	v8 =	vld [tilespmem:s31+$0x1010];
	_ =	sdelay $0x3  }
0x42: {  	vm13 =	vgt.f32 v7, $0.0e+00  }
0x43: {  	v7 =	vnsel vm13, $0x0, v8  }
0x44: {  	[tilespmem:s31+$0x5010] =	vst v7  }
0x45: {  	v7 =	vld.idx.msk [tilespmem:v3+s24+$0x0], $0xffff  }
0x46: {  	v9 =	vld [tilespmem:s31+$0x1020];
	_ =	sdelay $0x3  }
0x47: {  	vm14 =	vgt.f32 v7, $0.0e+00  }
0x48: {  	v7 =	vnsel vm14, $0x0, v9  }
0x49: {  	[tilespmem:s31+$0x5020] =	vst v7  }
0x4a: {  	v7 =	vld.idx.msk [tilespmem:v4+s24+$0x0], $0xffff  }
0x4b: {  	v6 =	vld [tilespmem:s31+$0x1030];
	_ =	sdelay $0x3  }
0x4c: {  	vm15 =	vgt.f32 v7, $0.0e+00  }
0x4d: {  	s30 =	simm.s32 $0x100;
	s0 =	simm.s32 $0x0;
	v5 =	vadd.f32 v5, v0;
	v6 =	vnsel vm15, $0x0, v6  }
.LBB2_2:
0x4e: {  	p0 =	sne.s32 s30, $0xFF00  }
0x4f: {  	[tilespmem:s31+$0x5030] =	vst v6;
	s0 =	sadd.s32 $0x10, s0;
	s31 =	smov.u32 s30;
	s30 =	sadd.s32 $0x100, s30  }
0x50: {  	v6 =	vld [tilespmem:s0+$0x0];
	_ =	sdelay $0x4  }
0x51: {  	vm0 =	vgt.s32 v6, $0xFFFFFFFF  }
0x52: {  	v6 =	vsel vm0, $0x3F800000, v0  }
0x53: {  	v5 =	vadd.f32 v6, v5;
	[tilespmem:$0x9000] =	vst v6  }
0x54: {  	v6 =	vld.idx.msk [tilespmem:v1+s24+$0x0], $0xffff  }
0x55: {  	s31 =	sshra.s32 s31, $0x2  }
0x56: {  	v7 =	vld [tilespmem:s31+$0x1000]  }
0x57: {  	v8 =	vld [tilespmem:s31+$0x1010]  }
0x58: {  	v9 =	vld [tilespmem:s31+$0x1020]  }
0x59: {  	v10 =	vld [tilespmem:s31+$0x1030]  }
0x5a: {  	vm0 =	vgt.f32 v6, $0.0e+00  }
0x5b: {  	v6 =	vnsel vm0, $0x0, v7  }
0x5c: {  	[tilespmem:s31+$0x5000] =	vst v6  }
0x5d: {  	v6 =	vld.idx.msk [tilespmem:v2+s24+$0x0], $0xffff;
	_ =	sdelay $0x5  }
0x5e: {  	vm0 =	vgt.f32 v6, $0.0e+00  }
0x5f: {  	v6 =	vnsel vm0, $0x0, v8  }
0x60: {  	[tilespmem:s31+$0x5010] =	vst v6  }
0x61: {  	v6 =	vld.idx.msk [tilespmem:v3+s24+$0x0], $0xffff;
	_ =	sdelay $0x5  }
0x62: {  	vm0 =	vgt.f32 v6, $0.0e+00  }
0x63: {  	v6 =	vnsel vm0, $0x0, v9  }
0x64: {  	[tilespmem:s31+$0x5020] =	vst v6  }
0x65: {  	v6 =	vld.idx.msk [tilespmem:v4+s24+$0x0], $0xffff;
	_ =	sdelay $0x2  }
.Ltmp0:
0x66: {  	(pc) =	sbr.rel @p0 .LBB2_2-.Ltmp0, $3  }
0x67: {  	_ =	sdelay $0x1  }
0x68: {  	vm0 =	vgt.f32 v6, $0.0e+00  }
0x69: {  	v6 =	vnsel vm0, $0x0, v10  }
0x6a: {  	[tilespmem:s31+$0x5030] =	vst v6  }
0x6b: {  	[tilespmem:$0x9000] =	vst v5  }
0x6c: {  	[hbm4b:s9+s2] =	stream.linear.scatter [tilespmem:s24], [sflag:$0x3], $0x80, $0x38;
	[tilespmem:$0x9080] =	vst v63  }
0x6d: {  	_ =	swait.ge [sflag:s25], $0x80  }
0x6e: {  	[sflag:s25] =	ssyncset.done $0x0  }
0x6f: {  	[sflag:s25] =	ssyncadd.s32 $0xFFFFFF80  }
0x70: {  	[hbm4b:s10+s15] =	stream.strided.scatter [tilespmem:s2], [sflag:$0x3], $0x800, s16, s15, $0x38;
	[tilespmem:$0x9080] =	vst v63  }
0x71: {  	_ =	swait.ge [sflag:s25], $0x800  }
0x72: {  	[sflag:s25] =	ssyncset.done $0x0  }
0x73: {  	[sflag:s25] =	ssyncadd.s32 $0xFFFFF800  }
0x74: {  	[hbm4b:s11+s15] =	stream.strided.scatter [tilespmem:s26], [sflag:$0x3], $0x2000, s16, s15, $0x38;
	[tilespmem:$0x9080] =	vst v63  }
0x75: {  	_ =	swait.ge [sflag:s25], $0x2000  }
0x76: {  	[sflag:s25] =	ssyncset.done $0x0  }
0x77: {  	[sflag:s25] =	ssyncadd.s32 $0xFFFFE000  }
0x78: {  	[hbm4b:s12+s15] =	stream.strided.scatter [tilespmem:s19], [sflag:$0x3], $0x800, s16, s15, $0x38;
	[tilespmem:$0x9080] =	vst v63  }
0x79: {  	s29 =	sadd.s32 $0x1, s29;
	_ =	swait.ge [sflag:s25], $0x800  }
0x7a: {  	p0 =	sne.s32 s29, s14;
	[sflag:s25] =	ssyncset.done $0x0  }
.Ltmp1:
0x7b: {  	[sflag:s25] =	ssyncadd.s32 $0xFFFFF800;
	(pc) =	sbr.rel @p0 .LBB2_1-.Ltmp1, $4  }
0x7c: {  	[hbm4b:s13+s15] =	stream.strided.scatter [tilespmem:s28], [sflag:$0x3], $0x2000, s16, s15, $0x38;
	[tilespmem:$0x9080] =	vst v63  }
0x7d: {  	_ =	swait.ge [sflag:s25], $0x2000  }
0x7e: {  	[sflag:s25] =	ssyncset.done $0x0  }
0x7f: {  	[sflag:s25] =	ssyncadd.s32 $0xFFFFE000  }
0x80: {  	_ =	sfence.sel $0x180000  }
0x81: {  	[bflag:$0x0] =	sbarrier.arrive $0xFFFF  }
0x82: {  	_ =	strace $0x9000004A  }
0x83: {  	[bflag:$0x2] =	sbarrier.arrive $0xFFFF  }
0x84: {  	p0 =	sne.s32 s1, $0x0;
	s0 =	rddreg [dreg:$0x3]  }
0x85: {  	s0 =	sadd.s32 @!p0 $0x100000, s0  }
0x86: {  	[sflag:s0] =	ssyncadd.tile.s32 @!p0 $0x1;
	_ =	shalt  }
.Lfunc_end2:
_tile_overlayer_lowered:
.L_overlay_start_2:
0x87: {  	(tag) =	ssettag $0x2  }
0x88: {  	s0 =	rddreg [dreg:$0x0];
	s2 =	stileid.u32  }
0x89: {  	s1 =	rddreg [dreg:$0x1];
	p0 =	sne.s32 s2, $0x0  }
0x8a: {  	s3 =	rddreg [dreg:$0x2];
	[bflag:$0x3] =	sbarrier.arrive $0xFFFF;
	s2 =	simm.s32 @!p0 $0x1C03  }
0x8b: {  	[timem:s3], [sflag:s2] =	dma.local @!p0 [hbm:s0], s1  }
0x8c: {  	s0 =	simm.s32 @!p0 $0x3  }
0x8d: {  	_ =	swait.ge @!p0 [sflag:s0], s1  }
0x8e: {  	s1 =	ssub.s32 @!p0 $0x0, s1;
	[sflag:s0] =	ssyncset.done @!p0 $0x0  }
0x8f: {  	[sflag:s0] =	ssyncadd.s32 @!p0 s1  }
0x90: {  	[bflag:$0x3] =	sbarrier.arrive $0xFFFF  }
0x91: {  	_ =	shalt  }

</sc_bundles>
